<compile_context>
chip_gen: v7x
topology: tpu7x:2x2x1
jax: 0.10.2.dev20260603
libtpu: 0.0.44.dev20260713+nightly
codegen_flags: <defaults>
</compile_context>

<pallas_src>
import functools
import math

import jax
import jax.numpy as jnp
from jax import lax
from jax.experimental import pallas as pl
from jax.experimental.pallas import tpu as pltpu
from jax.experimental.pallas import tpu_sc as plsc

_V = 1000000
_D = 64
_SEQ = 50
_BATCH = 4096
_NC = 2
_NS = 16
_NW = _NC * _NS
_N = _BATCH * _SEQ
_C = 128
_PER_W = _N // _NW
_NCHUNK = _PER_W // _C
_SCALE = math.sqrt(_D)
_L = 16

_PANEL = 16384
_TC_GRID = (_V + _PANEL - 1) // _PANEL


def _repack_body(t_ref, out_ref):
    eye2 = jnp.concatenate(
        [jnp.eye(_D, dtype=jnp.float32)] * 2, axis=1)
    out_ref[...] = lax.dot_general(
        t_ref[...], eye2, (((0,), (0,)), ((), ())),
        preferred_element_type=jnp.float32)


def _repack(tabT):
    return pl.pallas_call(
        _repack_body,
        grid=(_TC_GRID,),
        in_specs=[pl.BlockSpec((_D, _PANEL), lambda g: (0, g))],
        out_specs=pl.BlockSpec((_PANEL, 128), lambda g: (g, 0)),
        out_shape=jax.ShapeDtypeStruct((_V, 128), jnp.float32),
    )(tabT)


def _body(idx_hbm, tab_hbm, pe_hbm, out_hbm,
          idx_v, pe_v, buf0, buf1, obuf0, obuf1,
          gsem0, gsem1, ssem0, ssem1):
    cid = lax.axis_index("c")
    sid = lax.axis_index("s")
    wid = sid * _NC + cid
    base = wid * _PER_W
    pltpu.sync_copy(idx_hbm.at[pl.ds(base, _PER_W)], idx_v)
    pltpu.sync_copy(pe_hbm, pe_v)

    bufs = (buf0, buf1)
    obufs = (obuf0, obuf1)
    gsems = (gsem0, gsem1)
    ssems = (ssem0, ssem1)

    def start_gather(j, buf, gsem):
        pltpu.async_copy(tab_hbm.at[idx_v.at[pl.ds(j * _C, _C)]], buf, gsem)

    start_gather(0, buf0, gsem0)

    @pl.loop(0, _NCHUNK, step=2)
    def _pair(j0):
        for par in range(2):
            j = j0 + par
            buf, gsem, ssem, obuf = bufs[par], gsems[par], ssems[par], obufs[par]
            nbuf, ngsem = bufs[1 - par], gsems[1 - par]
            nssem, nobuf = ssems[1 - par], obufs[1 - par]

            @pl.when(j + 1 < _NCHUNK)
            def _start_next():
                @pl.when(j >= 1)
                def _drain_prev():
                    pltpu.make_async_copy(
                        nobuf,
                        out_hbm.at[pl.ds((base + (j - 1) * _C) * _D, _C * _D)],
                        nssem).wait()

                start_gather(j + 1, nbuf, ngsem)

            pltpu.make_async_copy(
                tab_hbm.at[idx_v.at[pl.ds(j * _C, _C)]], buf, gsem).wait()

            roff = j * _C

            @pl.loop(0, _C)
            def _row(r):
                s = lax.rem(roff + r, _SEQ)
                for t in range(_D // _L):
                    v = buf[r, pl.ds(t * _L, _L)]
                    pe16 = pe_v[pl.ds(s * _D + t * _L, _L)]
                    obuf[pl.ds(r * _D + t * _L, _L)] = v * _SCALE + pe16

            pltpu.async_copy(
                obuf, out_hbm.at[pl.ds((base + j * _C) * _D, _C * _D)], ssem)

    pltpu.make_async_copy(
        obuf0, out_hbm.at[pl.ds((base + (_NCHUNK - 2) * _C) * _D, _C * _D)],
        ssem0).wait()
    pltpu.make_async_copy(
        obuf1, out_hbm.at[pl.ds((base + (_NCHUNK - 1) * _C) * _D, _C * _D)],
        ssem1).wait()


@functools.partial(jax.jit, static_argnames=())
def kernel(enc_words, table, pe):
    idx = enc_words.reshape(_N).astype(jnp.int32)
    tab2 = _repack(table.T)
    pe1 = pe.reshape(_SEQ * _D).astype(jnp.float32)
    mesh = plsc.VectorSubcoreMesh(core_axis_name="c", subcore_axis_name="s")
    out = pl.kernel(
        _body,
        out_type=jax.ShapeDtypeStruct((_N * _D,), jnp.float32),
        mesh=mesh,
        compiler_params=pltpu.CompilerParams(
            use_tc_tiling_on_sc=True, needs_layout_passes=False),
        scratch_types=[
            pltpu.VMEM((_PER_W,), jnp.int32),
            pltpu.VMEM((_SEQ * _D,), jnp.float32),
            pltpu.VMEM((_C, 128), jnp.float32),
            pltpu.VMEM((_C, 128), jnp.float32),
            pltpu.VMEM((_C * _D,), jnp.float32),
            pltpu.VMEM((_C * _D,), jnp.float32),
            pltpu.SemaphoreType.DMA,
            pltpu.SemaphoreType.DMA,
            pltpu.SemaphoreType.DMA,
            pltpu.SemaphoreType.DMA,
        ],
    )(idx, tab2, pe1)
    return out.reshape(_BATCH, _SEQ, _D)

# --- scband reference (transcript-rebuilt; emitter-appended) ---
"""Pipeline reference for scband-embedd-38920993636722 (READ-ONLY COPY).

The authoritative reference and input builder live on the scoring server;
editing this copy changes nothing except your own understanding.
"""

import jax, jax.numpy as jnp
import numpy as np
import math

VOCAB = 1000000
D_MODEL = 64
MAX_LEN = 50
BATCH = 4096
SEQ = 50

def _positional_encoding(max_len, d_model):
    pe = np.zeros((max_len, d_model), dtype=np.float32)
    pos = np.arange(max_len, dtype=np.float32)[:, None]
    i = np.arange(0, d_model, 2, dtype=np.float32)[None, :]
    pe[:, 0::2] = np.sin(pos / np.power(10000.0, 2.0 * i / d_model))
    pe[:, 1::2] = np.cos(pos / np.power(10000.0, 2.0 * (i + 1.0) / d_model))
    return jnp.asarray(pe)[None, :, :]  # [1, max_len, d_model]

def setup_inputs(seed: int = 0) -> dict:
    key = jax.random.key(seed)
    k1, k2 = jax.random.split(key)
    enc_words = jax.random.randint(k1, (BATCH, SEQ), 0, VOCAB, dtype=jnp.int64 if jax.config.jax_enable_x64 else jnp.int32)
    # nn.Embedding default init: N(0, 1)
    table = jax.random.normal(k2, (VOCAB, D_MODEL), dtype=jnp.float32)
    pe = _positional_encoding(MAX_LEN, D_MODEL)
    return {"enc_words": enc_words, "table": table, "pe": pe}

def reference(enc_words, table, pe):
    # embed(enc_words) * sqrt(d_model)
    embedd = jnp.take(table, enc_words, axis=0) * math.sqrt(D_MODEL)
    # += pe[:, :seq_len]  (broadcast over batch)
    embedd = embedd + pe[:, :embedd.shape[1]]
    # dropout is identity in eval mode
    return embedd

if __name__ == "__main__":
    import jax
    _d = setup_inputs()
    print(jax.jit(kernel)(*tuple(_d.values())))

</pallas_src>

<mosaic_0001>
#map = affine_map<(d0, d1) -> (0)>
#map1 = affine_map<(d0, d1) -> (0, 0)>
module attributes {stable_mosaic.version = 14 : i64} {
  func.func @_body(%arg0: i32, %arg1: i32, %arg2: memref<204800xi32, #tpu.memory_space<hbm>>, %arg3: memref<1000000x128xf32, #tpu.memory_space<hbm>>, %arg4: memref<3200xf32, #tpu.memory_space<hbm>>, %arg5: memref<13107200xf32, #tpu.memory_space<hbm>>, %arg6: memref<6400xi32, #tpu.memory_space<vmem>>, %arg7: memref<3200xf32, #tpu.memory_space<vmem>>, %arg8: memref<128x128xf32, #tpu.memory_space<vmem>>, %arg9: memref<128x128xf32, #tpu.memory_space<vmem>>, %arg10: memref<8192xf32, #tpu.memory_space<vmem>>, %arg11: memref<8192xf32, #tpu.memory_space<vmem>>, %arg12: memref<!tpu.dma_semaphore, #tpu.memory_space<semaphore_mem>>, %arg13: memref<!tpu.dma_semaphore, #tpu.memory_space<semaphore_mem>>, %arg14: memref<!tpu.dma_semaphore, #tpu.memory_space<semaphore_mem>>, %arg15: memref<!tpu.dma_semaphore, #tpu.memory_space<semaphore_mem>>) attributes {dimension_semantics = [#tpu.dimension_semantics<core_parallel>, #tpu.dimension_semantics<subcore_parallel>], iteration_bounds = array<i64: 2, 16>, scalar_prefetch = 0 : i64, scratch_operands = 10 : i64, tpu.core_type = #tpu.core_type<sc_vector_subcore>, window_params = [{transform_indices = #map}, {transform_indices = #map1}, {transform_indices = #map}, {transform_indices = #map}]} {
    %mul3A = arith.constant 2 : i32
    %mul3A_0 = arith.muli %arg1, %mul3A : i32
    %add3A = arith.addi %mul3A_0, %arg0 : i32
    %mul3A_1 = arith.constant 6400 : i32
    %mul3A_2 = arith.muli %add3A, %mul3A_1 : i32
    "tpu.region"() ({
      %run_scoped3A = tpu.sem_alloc : memref<!tpu.dma_semaphore, #tpu.memory_space<semaphore_mem>>
      %dma_start3A_22 = tpu.memref_slice %arg2[%mul3A_2] : memref<204800xi32, #tpu.memory_space<hbm>> -> memref<6400xi32, #tpu.memory_space<hbm>>
      %dma_start3A_23 = tpu.memref_slice %arg2[%mul3A_2] : memref<204800xi32, #tpu.memory_space<hbm>> -> memref<6400xi32, #tpu.memory_space<hbm>>
      tpu.enqueue_dma source(%dma_start3A_23 : memref<6400xi32, #tpu.memory_space<hbm>>) target(%arg6 : memref<6400xi32, #tpu.memory_space<vmem>>) target_semaphore(%run_scoped3A : memref<!tpu.dma_semaphore, #tpu.memory_space<semaphore_mem>>)
      %dma_wait3A_24 = tpu.memref_slice %arg2[%mul3A_2] : memref<204800xi32, #tpu.memory_space<hbm>> -> memref<6400xi32, #tpu.memory_space<hbm>>
      %dma_wait3A_25 = tpu.memref_slice %arg2[%mul3A_2] : memref<204800xi32, #tpu.memory_space<hbm>> -> memref<6400xi32, #tpu.memory_space<hbm>>
      tpu.wait_dma2 semaphore(%run_scoped3A : memref<!tpu.dma_semaphore, #tpu.memory_space<semaphore_mem>>) src(%dma_wait3A_25 : memref<6400xi32, #tpu.memory_space<hbm>>) dst(%arg6 : memref<6400xi32, #tpu.memory_space<vmem>>)
      tpu.yield
    }) : () -> ()
    "tpu.region"() ({
      %run_scoped3A = tpu.sem_alloc : memref<!tpu.dma_semaphore, #tpu.memory_space<semaphore_mem>>
      tpu.enqueue_dma source(%arg4 : memref<3200xf32, #tpu.memory_space<hbm>>) target(%arg7 : memref<3200xf32, #tpu.memory_space<vmem>>) target_semaphore(%run_scoped3A : memref<!tpu.dma_semaphore, #tpu.memory_space<semaphore_mem>>)
      tpu.wait_dma2 semaphore(%run_scoped3A : memref<!tpu.dma_semaphore, #tpu.memory_space<semaphore_mem>>) src(%arg4 : memref<3200xf32, #tpu.memory_space<hbm>>) dst(%arg7 : memref<3200xf32, #tpu.memory_space<vmem>>)
      tpu.yield
    }) : () -> ()
    %dma_start3A = arith.constant 0 : i32
    %dma_start3A_3 = tpu.memref_slice %arg6[%dma_start3A] : memref<6400xi32, #tpu.memory_space<vmem>> -> memref<128xi32, #tpu.memory_space<vmem>>
    %dma_start3A_4 = arith.constant 0 : i32
    %dma_start3A_5 = arith.constant 0 : i32
    %dma_start3A_6 = tpu.memref_slice %arg3[%dma_start3A_4, %dma_start3A_5] : memref<1000000x128xf32, #tpu.memory_space<hbm>> -> memref<1000000x128xf32, #tpu.memory_space<hbm>>
    tpu.enqueue_indirect_dma source(%dma_start3A_6 : memref<1000000x128xf32, #tpu.memory_space<hbm>>) target(%arg8 : memref<128x128xf32, #tpu.memory_space<vmem>>) offsets(%dma_start3A_3 : memref<128xi32, #tpu.memory_space<vmem>>) semaphore(%arg12 : memref<!tpu.dma_semaphore, #tpu.memory_space<semaphore_mem>>)
    %scan3A = arith.constant 0 : i32
    %scan3A_7 = arith.constant 25 : i32
    %scan3A_8 = arith.addi %scan3A, %scan3A_7 : i32
    %scan3A_9 = arith.constant 1 : i32
    scf.for %scan3A_22 = %scan3A to %scan3A_8 step %scan3A_9  : i32 {
      %mul3A_23 = arith.constant 2 : i32
      %mul3A_24 = arith.muli %scan3A_22, %mul3A_23 : i32
      %add3A_25 = arith.constant 0 : i32
      %add3A_26 = arith.addi %add3A_25, %mul3A_24 : i32
      %add3A_27 = arith.constant 0 : i32
      %add3A_28 = arith.addi %add3A_26, %add3A_27 : i32
      %add3A_29 = arith.constant 1 : i32
      %add3A_30 = arith.addi %add3A_28, %add3A_29 : i32
      %lt3A = arith.constant 50 : i32
      %lt3A_31 = arith.cmpi slt, %add3A_30, %lt3A : i32
      %convert_element_type3A = arith.extui %lt3A_31 : i1 to i32
      %cond3A = arith.constant 0 : i32
      %cond3A_32 = arith.cmpi ne, %convert_element_type3A, %cond3A : i32
      scf.if %cond3A_32 {
        %ge3A = arith.constant 1 : i32
        %ge3A_82 = arith.cmpi sge, %add3A_28, %ge3A : i32
        %convert_element_type3A_83 = arith.extui %ge3A_82 : i1 to i32
        %cond3A_84 = arith.constant 0 : i32
        %cond3A_85 = arith.cmpi ne, %convert_element_type3A_83, %cond3A_84 : i32
        scf.if %cond3A_85 {
          %sub3A = arith.constant 1 : i32
          %sub3A_94 = arith.subi %add3A_28, %sub3A : i32
          %mul3A_95 = arith.constant 128 : i32
          %mul3A_96 = arith.muli %sub3A_94, %mul3A_95 : i32
          %add3A_97 = arith.addi %mul3A_2, %mul3A_96 : i32
          %mul3A_98 = arith.constant 64 : i32
          %mul3A_99 = arith.muli %add3A_97, %mul3A_98 : i32
          %dma_wait3A_100 = tpu.memref_slice %arg5[%mul3A_99] : memref<13107200xf32, #tpu.memory_space<hbm>> -> memref<8192xf32, #tpu.memory_space<hbm>>
          %dma_wait3A_101 = tpu.memref_slice %arg5[%mul3A_99] : memref<13107200xf32, #tpu.memory_space<hbm>> -> memref<8192xf32, #tpu.memory_space<hbm>>
          tpu.wait_dma2 semaphore(%arg15 : memref<!tpu.dma_semaphore, #tpu.memory_space<semaphore_mem>>) src(%arg11 : memref<8192xf32, #tpu.memory_space<vmem>>) dst(%dma_wait3A_101 : memref<8192xf32, #tpu.memory_space<hbm>>)
        } else {
        }
        %add3A_86 = arith.constant 1 : i32
        %add3A_87 = arith.addi %add3A_28, %add3A_86 : i32
        %mul3A_88 = arith.constant 128 : i32
        %mul3A_89 = arith.muli %add3A_87, %mul3A_88 : i32
        %dma_start3A_90 = tpu.memref_slice %arg6[%mul3A_89] : memref<6400xi32, #tpu.memory_space<vmem>> -> memref<128xi32, #tpu.memory_space<vmem>>
        %dma_start3A_91 = arith.constant 0 : i32
        %dma_start3A_92 = arith.constant 0 : i32
        %dma_start3A_93 = tpu.memref_slice %arg3[%dma_start3A_91, %dma_start3A_92] : memref<1000000x128xf32, #tpu.memory_space<hbm>> -> memref<1000000x128xf32, #tpu.memory_space<hbm>>
        tpu.enqueue_indirect_dma source(%dma_start3A_93 : memref<1000000x128xf32, #tpu.memory_space<hbm>>) target(%arg9 : memref<128x128xf32, #tpu.memory_space<vmem>>) offsets(%dma_start3A_90 : memref<128xi32, #tpu.memory_space<vmem>>) semaphore(%arg13 : memref<!tpu.dma_semaphore, #tpu.memory_space<semaphore_mem>>)
      } else {
      }
      %mul3A_33 = arith.constant 128 : i32
      %mul3A_34 = arith.muli %add3A_28, %mul3A_33 : i32
      %dma_wait3A_35 = tpu.memref_slice %arg6[%mul3A_34] : memref<6400xi32, #tpu.memory_space<vmem>> -> memref<128xi32, #tpu.memory_space<vmem>>
      %dma_wait3A_36 = arith.constant 0 : i32
      %dma_wait3A_37 = arith.constant 0 : i32
      %dma_wait3A_38 = tpu.memref_slice %arg3[%dma_wait3A_36, %dma_wait3A_37] : memref<1000000x128xf32, #tpu.memory_space<hbm>> -> memref<1000000x128xf32, #tpu.memory_space<hbm>>
      tpu.wait_indirect_dma semaphore(%arg12 : memref<!tpu.dma_semaphore, #tpu.memory_space<semaphore_mem>>) src(%dma_wait3A_38 : memref<1000000x128xf32, #tpu.memory_space<hbm>>) dst(%arg8 : memref<128x128xf32, #tpu.memory_space<vmem>>)
      %mul3A_39 = arith.constant 128 : i32
      %mul3A_40 = arith.muli %add3A_28, %mul3A_39 : i32
      %scan3A_41 = arith.constant 0 : i32
      %scan3A_42 = arith.constant 128 : i32
      %scan3A_43 = arith.addi %scan3A_41, %scan3A_42 : i32
      %scan3A_44 = arith.constant 1 : i32
      scf.for %scan3A_82 = %scan3A_41 to %scan3A_43 step %scan3A_44  : i32 {
        %mul3A_83 = arith.constant 1 : i32
        %mul3A_84 = arith.muli %scan3A_82, %mul3A_83 : i32
        %add3A_85 = arith.constant 0 : i32
        %add3A_86 = arith.addi %add3A_85, %mul3A_84 : i32
        %add3A_87 = arith.addi %mul3A_40, %add3A_86 : i32
        %rem3A = arith.constant 50 : i32
        %rem3A_88 = arith.remsi %add3A_87, %rem3A : i32
        %get3A = arith.index_cast %add3A_86 : i32 to index
        %get3A_89 = arith.constant 0 : index
        %get3A_90 = tpu.vector_load %arg8[%get3A, %get3A_89] {strides = array<i32>} : memref<128x128xf32, #tpu.memory_space<vmem>>, vector<16xf32>,
        %mul3A_91 = arith.constant 64 : i32
        %mul3A_92 = arith.muli %rem3A_88, %mul3A_91 : i32
        %add3A_93 = arith.constant 0 : i32
        %add3A_94 = arith.addi %mul3A_92, %add3A_93 : i32
        %get3A_95 = arith.index_cast %add3A_94 : i32 to index
        %get3A_96 = tpu.vector_load %arg7[%get3A_95] {strides = array<i32>} : memref<3200xf32, #tpu.memory_space<vmem>>, vector<16xf32>,
        %mul3A_97 = arith.constant 8.000000e+00 : f32
        %mul3A_98 = vector.broadcast %mul3A_97 : f32 to vector<16xf32>
        %mul3A_99 = arith.mulf %get3A_90, %mul3A_98 : vector<16xf32>
        %add3A_100 = arith.addf %mul3A_99, %get3A_96 : vector<16xf32>
        %mul3A_101 = arith.constant 64 : i32
        %mul3A_102 = arith.muli %add3A_86, %mul3A_101 : i32
        %add3A_103 = arith.constant 0 : i32
        %add3A_104 = arith.addi %mul3A_102, %add3A_103 : i32
        %swap3A = arith.index_cast %add3A_104 : i32 to index
        %swap3A_105 = tpu.vector_load %arg10[%swap3A] {strides = array<i32>} : memref<8192xf32, #tpu.memory_space<vmem>>, vector<16xf32>,
        tpu.vector_store %arg10[%swap3A], %add3A_100 {strides = array<i32>} : memref<8192xf32, #tpu.memory_space<vmem>>, vector<16xf32>,
        %get3A_106 = arith.index_cast %add3A_86 : i32 to index
        %get3A_107 = arith.constant 16 : index
        %get3A_108 = tpu.vector_load %arg8[%get3A_106, %get3A_107] {strides = array<i32>} : memref<128x128xf32, #tpu.memory_space<vmem>>, vector<16xf32>,
        %mul3A_109 = arith.constant 64 : i32
        %mul3A_110 = arith.muli %rem3A_88, %mul3A_109 : i32
        %add3A_111 = arith.constant 16 : i32
        %add3A_112 = arith.addi %mul3A_110, %add3A_111 : i32
        %get3A_113 = arith.index_cast %add3A_112 : i32 to index
        %get3A_114 = tpu.vector_load %arg7[%get3A_113] {strides = array<i32>} : memref<3200xf32, #tpu.memory_space<vmem>>, vector<16xf32>,
        %mul3A_115 = arith.constant 8.000000e+00 : f32
        %mul3A_116 = vector.broadcast %mul3A_115 : f32 to vector<16xf32>
        %mul3A_117 = arith.mulf %get3A_108, %mul3A_116 : vector<16xf32>
        %add3A_118 = arith.addf %mul3A_117, %get3A_114 : vector<16xf32>
        %mul3A_119 = arith.constant 64 : i32
        %mul3A_120 = arith.muli %add3A_86, %mul3A_119 : i32
        %add3A_121 = arith.constant 16 : i32
        %add3A_122 = arith.addi %mul3A_120, %add3A_121 : i32
        %swap3A_123 = arith.index_cast %add3A_122 : i32 to index
        %swap3A_124 = tpu.vector_load %arg10[%swap3A_123] {strides = array<i32>} : memref<8192xf32, #tpu.memory_space<vmem>>, vector<16xf32>,
        tpu.vector_store %arg10[%swap3A_123], %add3A_118 {strides = array<i32>} : memref<8192xf32, #tpu.memory_space<vmem>>, vector<16xf32>,
        %get3A_125 = arith.index_cast %add3A_86 : i32 to index
        %get3A_126 = arith.constant 32 : index
        %get3A_127 = tpu.vector_load %arg8[%get3A_125, %get3A_126] {strides = array<i32>} : memref<128x128xf32, #tpu.memory_space<vmem>>, vector<16xf32>,
        %mul3A_128 = arith.constant 64 : i32
        %mul3A_129 = arith.muli %rem3A_88, %mul3A_128 : i32
        %add3A_130 = arith.constant 32 : i32
        %add3A_131 = arith.addi %mul3A_129, %add3A_130 : i32
        %get3A_132 = arith.index_cast %add3A_131 : i32 to index
        %get3A_133 = tpu.vector_load %arg7[%get3A_132] {strides = array<i32>} : memref<3200xf32, #tpu.memory_space<vmem>>, vector<16xf32>,
        %mul3A_134 = arith.constant 8.000000e+00 : f32
        %mul3A_135 = vector.broadcast %mul3A_134 : f32 to vector<16xf32>
        %mul3A_136 = arith.mulf %get3A_127, %mul3A_135 : vector<16xf32>
        %add3A_137 = arith.addf %mul3A_136, %get3A_133 : vector<16xf32>
        %mul3A_138 = arith.constant 64 : i32
        %mul3A_139 = arith.muli %add3A_86, %mul3A_138 : i32
        %add3A_140 = arith.constant 32 : i32
        %add3A_141 = arith.addi %mul3A_139, %add3A_140 : i32
        %swap3A_142 = arith.index_cast %add3A_141 : i32 to index
        %swap3A_143 = tpu.vector_load %arg10[%swap3A_142] {strides = array<i32>} : memref<8192xf32, #tpu.memory_space<vmem>>, vector<16xf32>,
        tpu.vector_store %arg10[%swap3A_142], %add3A_137 {strides = array<i32>} : memref<8192xf32, #tpu.memory_space<vmem>>, vector<16xf32>,
        %get3A_144 = arith.index_cast %add3A_86 : i32 to index
        %get3A_145 = arith.constant 48 : index
        %get3A_146 = tpu.vector_load %arg8[%get3A_144, %get3A_145] {strides = array<i32>} : memref<128x128xf32, #tpu.memory_space<vmem>>, vector<16xf32>,
        %mul3A_147 = arith.constant 64 : i32
        %mul3A_148 = arith.muli %rem3A_88, %mul3A_147 : i32
        %add3A_149 = arith.constant 48 : i32
        %add3A_150 = arith.addi %mul3A_148, %add3A_149 : i32
        %get3A_151 = arith.index_cast %add3A_150 : i32 to index
        %get3A_152 = tpu.vector_load %arg7[%get3A_151] {strides = array<i32>} : memref<3200xf32, #tpu.memory_space<vmem>>, vector<16xf32>,
        %mul3A_153 = arith.constant 8.000000e+00 : f32
        %mul3A_154 = vector.broadcast %mul3A_153 : f32 to vector<16xf32>
        %mul3A_155 = arith.mulf %get3A_146, %mul3A_154 : vector<16xf32>
        %add3A_156 = arith.addf %mul3A_155, %get3A_152 : vector<16xf32>
        %mul3A_157 = arith.constant 64 : i32
        %mul3A_158 = arith.muli %add3A_86, %mul3A_157 : i32
        %add3A_159 = arith.constant 48 : i32
        %add3A_160 = arith.addi %mul3A_158, %add3A_159 : i32
        %swap3A_161 = arith.index_cast %add3A_160 : i32 to index
        %swap3A_162 = tpu.vector_load %arg10[%swap3A_161] {strides = array<i32>} : memref<8192xf32, #tpu.memory_space<vmem>>, vector<16xf32>,
        tpu.vector_store %arg10[%swap3A_161], %add3A_156 {strides = array<i32>} : memref<8192xf32, #tpu.memory_space<vmem>>, vector<16xf32>,
      }
      %scan3A_45 = arith.constant 128 : i32
      %mul3A_46 = arith.constant 128 : i32
      %mul3A_47 = arith.muli %add3A_28, %mul3A_46 : i32
      %add3A_48 = arith.addi %mul3A_2, %mul3A_47 : i32
      %mul3A_49 = arith.constant 64 : i32
      %mul3A_50 = arith.muli %add3A_48, %mul3A_49 : i32
      %dma_start3A_51 = tpu.memref_slice %arg5[%mul3A_50] : memref<13107200xf32, #tpu.memory_space<hbm>> -> memref<8192xf32, #tpu.memory_space<hbm>>
      %dma_start3A_52 = tpu.memref_slice %arg5[%mul3A_50] : memref<13107200xf32, #tpu.memory_space<hbm>> -> memref<8192xf32, #tpu.memory_space<hbm>>
      tpu.enqueue_dma source(%arg10 : memref<8192xf32, #tpu.memory_space<vmem>>) target(%dma_start3A_52 : memref<8192xf32, #tpu.memory_space<hbm>>) target_semaphore(%arg14 : memref<!tpu.dma_semaphore, #tpu.memory_space<semaphore_mem>>)
      %add3A_53 = arith.constant 1 : i32
      %add3A_54 = arith.addi %add3A_26, %add3A_53 : i32
      %add3A_55 = arith.constant 1 : i32
      %add3A_56 = arith.addi %add3A_54, %add3A_55 : i32
      %lt3A_57 = arith.constant 50 : i32
      %lt3A_58 = arith.cmpi slt, %add3A_56, %lt3A_57 : i32
      %convert_element_type3A_59 = arith.extui %lt3A_58 : i1 to i32
      %cond3A_60 = arith.constant 0 : i32
      %cond3A_61 = arith.cmpi ne, %convert_element_type3A_59, %cond3A_60 : i32
      scf.if %cond3A_61 {
        %ge3A = arith.constant 1 : i32
        %ge3A_82 = arith.cmpi sge, %add3A_54, %ge3A : i32
        %convert_element_type3A_83 = arith.extui %ge3A_82 : i1 to i32
        %cond3A_84 = arith.constant 0 : i32
        %cond3A_85 = arith.cmpi ne, %convert_element_type3A_83, %cond3A_84 : i32
        scf.if %cond3A_85 {
          %sub3A = arith.constant 1 : i32
          %sub3A_94 = arith.subi %add3A_54, %sub3A : i32
          %mul3A_95 = arith.constant 128 : i32
          %mul3A_96 = arith.muli %sub3A_94, %mul3A_95 : i32
          %add3A_97 = arith.addi %mul3A_2, %mul3A_96 : i32
          %mul3A_98 = arith.constant 64 : i32
          %mul3A_99 = arith.muli %add3A_97, %mul3A_98 : i32
          %dma_wait3A_100 = tpu.memref_slice %arg5[%mul3A_99] : memref<13107200xf32, #tpu.memory_space<hbm>> -> memref<8192xf32, #tpu.memory_space<hbm>>
          %dma_wait3A_101 = tpu.memref_slice %arg5[%mul3A_99] : memref<13107200xf32, #tpu.memory_space<hbm>> -> memref<8192xf32, #tpu.memory_space<hbm>>
          tpu.wait_dma2 semaphore(%arg14 : memref<!tpu.dma_semaphore, #tpu.memory_space<semaphore_mem>>) src(%arg10 : memref<8192xf32, #tpu.memory_space<vmem>>) dst(%dma_wait3A_101 : memref<8192xf32, #tpu.memory_space<hbm>>)
        } else {
        }
        %add3A_86 = arith.constant 1 : i32
        %add3A_87 = arith.addi %add3A_54, %add3A_86 : i32
        %mul3A_88 = arith.constant 128 : i32
        %mul3A_89 = arith.muli %add3A_87, %mul3A_88 : i32
        %dma_start3A_90 = tpu.memref_slice %arg6[%mul3A_89] : memref<6400xi32, #tpu.memory_space<vmem>> -> memref<128xi32, #tpu.memory_space<vmem>>
        %dma_start3A_91 = arith.constant 0 : i32
        %dma_start3A_92 = arith.constant 0 : i32
        %dma_start3A_93 = tpu.memref_slice %arg3[%dma_start3A_91, %dma_start3A_92] : memref<1000000x128xf32, #tpu.memory_space<hbm>> -> memref<1000000x128xf32, #tpu.memory_space<hbm>>
        tpu.enqueue_indirect_dma source(%dma_start3A_93 : memref<1000000x128xf32, #tpu.memory_space<hbm>>) target(%arg8 : memref<128x128xf32, #tpu.memory_space<vmem>>) offsets(%dma_start3A_90 : memref<128xi32, #tpu.memory_space<vmem>>) semaphore(%arg12 : memref<!tpu.dma_semaphore, #tpu.memory_space<semaphore_mem>>)
      } else {
      }
      %mul3A_62 = arith.constant 128 : i32
      %mul3A_63 = arith.muli %add3A_54, %mul3A_62 : i32
      %dma_wait3A_64 = tpu.memref_slice %arg6[%mul3A_63] : memref<6400xi32, #tpu.memory_space<vmem>> -> memref<128xi32, #tpu.memory_space<vmem>>
      %dma_wait3A_65 = arith.constant 0 : i32
      %dma_wait3A_66 = arith.constant 0 : i32
      %dma_wait3A_67 = tpu.memref_slice %arg3[%dma_wait3A_65, %dma_wait3A_66] : memref<1000000x128xf32, #tpu.memory_space<hbm>> -> memref<1000000x128xf32, #tpu.memory_space<hbm>>
      tpu.wait_indirect_dma semaphore(%arg13 : memref<!tpu.dma_semaphore, #tpu.memory_space<semaphore_mem>>) src(%dma_wait3A_67 : memref<1000000x128xf32, #tpu.memory_space<hbm>>) dst(%arg9 : memref<128x128xf32, #tpu.memory_space<vmem>>)
      %mul3A_68 = arith.constant 128 : i32
      %mul3A_69 = arith.muli %add3A_54, %mul3A_68 : i32
      %scan3A_70 = arith.constant 0 : i32
      %scan3A_71 = arith.constant 128 : i32
      %scan3A_72 = arith.addi %scan3A_70, %scan3A_71 : i32
      %scan3A_73 = arith.constant 1 : i32
      scf.for %scan3A_82 = %scan3A_70 to %scan3A_72 step %scan3A_73  : i32 {
        %mul3A_83 = arith.constant 1 : i32
        %mul3A_84 = arith.muli %scan3A_82, %mul3A_83 : i32
        %add3A_85 = arith.constant 0 : i32
        %add3A_86 = arith.addi %add3A_85, %mul3A_84 : i32
        %add3A_87 = arith.addi %mul3A_69, %add3A_86 : i32
        %rem3A = arith.constant 50 : i32
        %rem3A_88 = arith.remsi %add3A_87, %rem3A : i32
        %get3A = arith.index_cast %add3A_86 : i32 to index
        %get3A_89 = arith.constant 0 : index
        %get3A_90 = tpu.vector_load %arg9[%get3A, %get3A_89] {strides = array<i32>} : memref<128x128xf32, #tpu.memory_space<vmem>>, vector<16xf32>,
        %mul3A_91 = arith.constant 64 : i32
        %mul3A_92 = arith.muli %rem3A_88, %mul3A_91 : i32
        %add3A_93 = arith.constant 0 : i32
        %add3A_94 = arith.addi %mul3A_92, %add3A_93 : i32
        %get3A_95 = arith.index_cast %add3A_94 : i32 to index
        %get3A_96 = tpu.vector_load %arg7[%get3A_95] {strides = array<i32>} : memref<3200xf32, #tpu.memory_space<vmem>>, vector<16xf32>,
        %mul3A_97 = arith.constant 8.000000e+00 : f32
        %mul3A_98 = vector.broadcast %mul3A_97 : f32 to vector<16xf32>
        %mul3A_99 = arith.mulf %get3A_90, %mul3A_98 : vector<16xf32>
        %add3A_100 = arith.addf %mul3A_99, %get3A_96 : vector<16xf32>
        %mul3A_101 = arith.constant 64 : i32
        %mul3A_102 = arith.muli %add3A_86, %mul3A_101 : i32
        %add3A_103 = arith.constant 0 : i32
        %add3A_104 = arith.addi %mul3A_102, %add3A_103 : i32
        %swap3A = arith.index_cast %add3A_104 : i32 to index
        %swap3A_105 = tpu.vector_load %arg11[%swap3A] {strides = array<i32>} : memref<8192xf32, #tpu.memory_space<vmem>>, vector<16xf32>,
        tpu.vector_store %arg11[%swap3A], %add3A_100 {strides = array<i32>} : memref<8192xf32, #tpu.memory_space<vmem>>, vector<16xf32>,
        %get3A_106 = arith.index_cast %add3A_86 : i32 to index
        %get3A_107 = arith.constant 16 : index
        %get3A_108 = tpu.vector_load %arg9[%get3A_106, %get3A_107] {strides = array<i32>} : memref<128x128xf32, #tpu.memory_space<vmem>>, vector<16xf32>,
        %mul3A_109 = arith.constant 64 : i32
        %mul3A_110 = arith.muli %rem3A_88, %mul3A_109 : i32
        %add3A_111 = arith.constant 16 : i32
        %add3A_112 = arith.addi %mul3A_110, %add3A_111 : i32
        %get3A_113 = arith.index_cast %add3A_112 : i32 to index
        %get3A_114 = tpu.vector_load %arg7[%get3A_113] {strides = array<i32>} : memref<3200xf32, #tpu.memory_space<vmem>>, vector<16xf32>,
        %mul3A_115 = arith.constant 8.000000e+00 : f32
        %mul3A_116 = vector.broadcast %mul3A_115 : f32 to vector<16xf32>
        %mul3A_117 = arith.mulf %get3A_108, %mul3A_116 : vector<16xf32>
        %add3A_118 = arith.addf %mul3A_117, %get3A_114 : vector<16xf32>
        %mul3A_119 = arith.constant 64 : i32
        %mul3A_120 = arith.muli %add3A_86, %mul3A_119 : i32
        %add3A_121 = arith.constant 16 : i32
        %add3A_122 = arith.addi %mul3A_120, %add3A_121 : i32
        %swap3A_123 = arith.index_cast %add3A_122 : i32 to index
        %swap3A_124 = tpu.vector_load %arg11[%swap3A_123] {strides = array<i32>} : memref<8192xf32, #tpu.memory_space<vmem>>, vector<16xf32>,
        tpu.vector_store %arg11[%swap3A_123], %add3A_118 {strides = array<i32>} : memref<8192xf32, #tpu.memory_space<vmem>>, vector<16xf32>,
        %get3A_125 = arith.index_cast %add3A_86 : i32 to index
        %get3A_126 = arith.constant 32 : index
        %get3A_127 = tpu.vector_load %arg9[%get3A_125, %get3A_126] {strides = array<i32>} : memref<128x128xf32, #tpu.memory_space<vmem>>, vector<16xf32>,
        %mul3A_128 = arith.constant 64 : i32
        %mul3A_129 = arith.muli %rem3A_88, %mul3A_128 : i32
        %add3A_130 = arith.constant 32 : i32
        %add3A_131 = arith.addi %mul3A_129, %add3A_130 : i32
        %get3A_132 = arith.index_cast %add3A_131 : i32 to index
        %get3A_133 = tpu.vector_load %arg7[%get3A_132] {strides = array<i32>} : memref<3200xf32, #tpu.memory_space<vmem>>, vector<16xf32>,
        %mul3A_134 = arith.constant 8.000000e+00 : f32
        %mul3A_135 = vector.broadcast %mul3A_134 : f32 to vector<16xf32>
        %mul3A_136 = arith.mulf %get3A_127, %mul3A_135 : vector<16xf32>
        %add3A_137 = arith.addf %mul3A_136, %get3A_133 : vector<16xf32>
        %mul3A_138 = arith.constant 64 : i32
        %mul3A_139 = arith.muli %add3A_86, %mul3A_138 : i32
        %add3A_140 = arith.constant 32 : i32
        %add3A_141 = arith.addi %mul3A_139, %add3A_140 : i32
        %swap3A_142 = arith.index_cast %add3A_141 : i32 to index
        %swap3A_143 = tpu.vector_load %arg11[%swap3A_142] {strides = array<i32>} : memref<8192xf32, #tpu.memory_space<vmem>>, vector<16xf32>,
        tpu.vector_store %arg11[%swap3A_142], %add3A_137 {strides = array<i32>} : memref<8192xf32, #tpu.memory_space<vmem>>, vector<16xf32>,
        %get3A_144 = arith.index_cast %add3A_86 : i32 to index
        %get3A_145 = arith.constant 48 : index
        %get3A_146 = tpu.vector_load %arg9[%get3A_144, %get3A_145] {strides = array<i32>} : memref<128x128xf32, #tpu.memory_space<vmem>>, vector<16xf32>,
        %mul3A_147 = arith.constant 64 : i32
        %mul3A_148 = arith.muli %rem3A_88, %mul3A_147 : i32
        %add3A_149 = arith.constant 48 : i32
        %add3A_150 = arith.addi %mul3A_148, %add3A_149 : i32
        %get3A_151 = arith.index_cast %add3A_150 : i32 to index
        %get3A_152 = tpu.vector_load %arg7[%get3A_151] {strides = array<i32>} : memref<3200xf32, #tpu.memory_space<vmem>>, vector<16xf32>,
        %mul3A_153 = arith.constant 8.000000e+00 : f32
        %mul3A_154 = vector.broadcast %mul3A_153 : f32 to vector<16xf32>
        %mul3A_155 = arith.mulf %get3A_146, %mul3A_154 : vector<16xf32>
        %add3A_156 = arith.addf %mul3A_155, %get3A_152 : vector<16xf32>
        %mul3A_157 = arith.constant 64 : i32
        %mul3A_158 = arith.muli %add3A_86, %mul3A_157 : i32
        %add3A_159 = arith.constant 48 : i32
        %add3A_160 = arith.addi %mul3A_158, %add3A_159 : i32
        %swap3A_161 = arith.index_cast %add3A_160 : i32 to index
        %swap3A_162 = tpu.vector_load %arg11[%swap3A_161] {strides = array<i32>} : memref<8192xf32, #tpu.memory_space<vmem>>, vector<16xf32>,
        tpu.vector_store %arg11[%swap3A_161], %add3A_156 {strides = array<i32>} : memref<8192xf32, #tpu.memory_space<vmem>>, vector<16xf32>,
      }
      %scan3A_74 = arith.constant 128 : i32
      %mul3A_75 = arith.constant 128 : i32
      %mul3A_76 = arith.muli %add3A_54, %mul3A_75 : i32
      %add3A_77 = arith.addi %mul3A_2, %mul3A_76 : i32
      %mul3A_78 = arith.constant 64 : i32
      %mul3A_79 = arith.muli %add3A_77, %mul3A_78 : i32
      %dma_start3A_80 = tpu.memref_slice %arg5[%mul3A_79] : memref<13107200xf32, #tpu.memory_space<hbm>> -> memref<8192xf32, #tpu.memory_space<hbm>>
      %dma_start3A_81 = tpu.memref_slice %arg5[%mul3A_79] : memref<13107200xf32, #tpu.memory_space<hbm>> -> memref<8192xf32, #tpu.memory_space<hbm>>
      tpu.enqueue_dma source(%arg11 : memref<8192xf32, #tpu.memory_space<vmem>>) target(%dma_start3A_81 : memref<8192xf32, #tpu.memory_space<hbm>>) target_semaphore(%arg15 : memref<!tpu.dma_semaphore, #tpu.memory_space<semaphore_mem>>)
    }
    %scan3A_10 = arith.constant 25 : i32
    %add3A_11 = arith.constant 6144 : i32
    %add3A_12 = arith.addi %mul3A_2, %add3A_11 : i32
    %mul3A_13 = arith.constant 64 : i32
    %mul3A_14 = arith.muli %add3A_12, %mul3A_13 : i32
    %dma_wait3A = tpu.memref_slice %arg5[%mul3A_14] : memref<13107200xf32, #tpu.memory_space<hbm>> -> memref<8192xf32, #tpu.memory_space<hbm>>
    %dma_wait3A_15 = tpu.memref_slice %arg5[%mul3A_14] : memref<13107200xf32, #tpu.memory_space<hbm>> -> memref<8192xf32, #tpu.memory_space<hbm>>
    tpu.wait_dma2 semaphore(%arg14 : memref<!tpu.dma_semaphore, #tpu.memory_space<semaphore_mem>>) src(%arg10 : memref<8192xf32, #tpu.memory_space<vmem>>) dst(%dma_wait3A_15 : memref<8192xf32, #tpu.memory_space<hbm>>)
    %add3A_16 = arith.constant 6272 : i32
    %add3A_17 = arith.addi %mul3A_2, %add3A_16 : i32
    %mul3A_18 = arith.constant 64 : i32
    %mul3A_19 = arith.muli %add3A_17, %mul3A_18 : i32
    %dma_wait3A_20 = tpu.memref_slice %arg5[%mul3A_19] : memref<13107200xf32, #tpu.memory_space<hbm>> -> memref<8192xf32, #tpu.memory_space<hbm>>
    %dma_wait3A_21 = tpu.memref_slice %arg5[%mul3A_19] : memref<13107200xf32, #tpu.memory_space<hbm>> -> memref<8192xf32, #tpu.memory_space<hbm>>
    tpu.wait_dma2 semaphore(%arg15 : memref<!tpu.dma_semaphore, #tpu.memory_space<semaphore_mem>>) src(%arg11 : memref<8192xf32, #tpu.memory_space<vmem>>) dst(%dma_wait3A_21 : memref<8192xf32, #tpu.memory_space<hbm>>)
    return
  }
}

module attributes {stable_mosaic.version = 14 : i64} {
  func.func @_repack_body(%arg0: i32, %arg1: memref<64x16384xf32, #tpu.memory_space<vmem>>, %arg2: memref<16384x128xf32, #tpu.memory_space<vmem>>) attributes {dimension_semantics = [#tpu.dimension_semantics<arbitrary>], iteration_bounds = array<i64: 62>, scalar_prefetch = 0 : i64, scratch_operands = 0 : i64, tpu.core_type = #tpu.core_type<tc>, window_params = [{transform_indices = @transform_0, window_bounds = array<i64: 64, 16384>}, {transform_indices = @transform_1, window_bounds = array<i64: 16384, 128>}]} {
    %iota3A = tpu.iota {dimensions = array<i32: 0>} : vector<64x64xi32>
    %iota3A_0 = tpu.iota {dimensions = array<i32: 1>} : vector<64x64xi32>
    %add3A = arith.constant 0 : i32
    %add3A_1 = vector.broadcast %add3A : i32 to vector<64x64xi32>
    %add3A_2 = arith.addi %iota3A, %add3A_1 : vector<64x64xi32>
    %eq3A = arith.cmpi eq, %add3A_2, %iota3A_0 : vector<64x64xi32>
    %convert_element_type3A = arith.extui %eq3A : vector<64x64xi1> to vector<64x64xi32>
    %convert_element_type3A_3 = arith.sitofp %convert_element_type3A : vector<64x64xi32> to vector<64x64xf32>
    %concatenate3A = tpu.concatenate %convert_element_type3A_3, %convert_element_type3A_3 in 1 : vector<64x64xf32>, vector<64x64xf32> -> vector<64x128xf32>
    %get3A = arith.constant 0 : index
    %get3A_4 = arith.constant 0 : index
    %get3A_5 = vector.load %arg1[%get3A, %get3A_4] : memref<64x16384xf32, #tpu.memory_space<vmem>>, vector<64x16384xf32>
    %dot_general3A = arith.constant dense<0.000000e+00> : vector<16384x128xf32>
    %dot_general3A_6 = tpu.matmul %get3A_5, %concatenate3A, %dot_general3A {dimension_numbers = #tpu.dot_dimension_numbers<[0], [0], [1], [1], [0, 1, 1, 1], [], []>, transpose_lhs_hint = false} : vector<64x16384xf32>, vector<64x128xf32>, vector<16384x128xf32> -> vector<16384x128xf32>
    %swap3A = arith.constant 0 : index
    %swap3A_7 = arith.constant 0 : index
    %swap3A_8 = vector.load %arg2[%swap3A, %swap3A_7] : memref<16384x128xf32, #tpu.memory_space<vmem>>, vector<16384x128xf32>
    tpu.vector_store %arg2[%swap3A, %swap3A_7], %dot_general3A_6 {strides = array<i32>} : memref<16384x128xf32, #tpu.memory_space<vmem>>, vector<16384x128xf32>,
    return
  }
  func.func @transform_0(%arg0: i32) -> (i32, i32) {
    %c0_i32 = arith.constant 0 : i32
    %c0_i32_0 = arith.constant 0 : i32
    return %c0_i32, %arg0 : i32, i32
  }
  func.func @transform_1(%arg0: i32) -> (i32, i32) {
    %c0_i32 = arith.constant 0 : i32
    %c0_i32_0 = arith.constant 0 : i32
    return %arg0, %c0_i32 : i32, i32
  }
}

</mosaic_0001>

<sc_bundles>
// kernel: kernel.4.cloned.1.call-start
scs
__scs_entry_jumppad:
0x0: {  	(pc) =	sbr.rel $0x88, $3  }
0x1: {  	(tag) =	ssettag $0x0;
	lr =	simm.s32 $0x1  }
0x2: {  	[smem:$0x3F9E] =	sst lr;
	_ =	strace $0xD0000000  }
0x3: {  	_ = 	snop  }
0x4: {  	_ = 	snop  }
0x5: {  	_ = 	snop  }
0x6: {  	_ = 	snop  }
0x7: {  	_ = 	snop  }
__scs_overlays_trampoline_lowered:
0x8: {  	[smem:$0x3FAD] =	sst s0  }
0x9: {  	[smem:$0x3FAE] =	sst s1  }
0xa: {  	[smem:$0x3FAF] =	sst s2  }
0xb: {  	[smem:$0x3FB0] =	sst s3  }
0xc: {  	[smem:$0x3FB1] =	sst s4  }
0xd: {  	[smem:$0x3FB2] =	sst s5  }
0xe: {  	[smem:$0x3FB3] =	sst s6  }
0xf: {  	[smem:$0x3FB4] =	sst s7  }
0x10: {  	[smem:$0x3FB5] =	sst s8  }
0x11: {  	[smem:$0x3FB6] =	sst s9;
	s0 =	simm.s32 @!p0 $0x0  }
0x12: {  	s1 =	sld [smem:$0x3F9C];
	s0 =	simm.s32 @p0 $0x1  }
0x13: {  	[smem:$0x3FB7] =	sst s0;
	s0 =	simm.s32 @!p1 $0x0  }
0x14: {  	s2 =	sld [smem:$0x3F9B];
	s0 =	simm.s32 @p1 $0x1  }
0x15: {  	[smem:$0x3FB8] =	sst s0;
	s0 =	simm.s32 @!p2 $0x0  }
0x16: {  	s3 =	sld [smem:$0x3FDB];
	s0 =	simm.s32 @p2 $0x1  }
0x17: {  	s4 =	simm.s32 $0x1BF5;
	[smem:$0x3FBA] =	sst s0  }
0x18: {  	s0 =	sld [smem:$0x3F9D];
	_ =	swait.ge [sflag:s4], $0x0  }
0x19: {  	s7 =	sld [smem:$0x3F9E]  }
0x1a: {  	s8 =	sadd.s32 $0xFFFFE003, lr  }
0x1b: {  	s9 =	sadd.s32 $0xFFFFFEF7, lr;
	s5 =	simm.s32 $0xFFFFFFFF;
	p2 =	slt.u32 s8, $0xFFFFF086  }
0x1c: {  	p1 =	slt.u32 s9, $0xF7A;
	s5 =	simm.s32 @!p2 $0x0  }
0x1d: {  	s5 =	simm.s32 @p1 $0x1;
	p0 =	seq.s32 s7, s2  }
0x1e: {  	s7 =	smul.u32 @!p0 $0xF7A, s2;
	p2 =	seq.s32 @!p0 s5, $0x0  }
0x1f: {  	s9 =	smul.u32 $0xF7A, s1;
	s8 =	simm.s32 @!p0 $0x1BF5;
	p2 =	por !p2, p0  }
0x20: {  	[sflag:s8] =	ssyncset.s32 @!p0 $0xFFFFF086;
	s6 =	sadd.s32 @!p0 s3, s7;
	s7 =	simm.s32 @!p0 $0x108  }
0x21: {  	s3 =	sadd.s32 s3, s9;
	s6 =	sadd.s32 @!p0 $0x88, s6;
	s7 =	simm.s32 @p2 $0x1082  }
0x22: {  	[simem:s7], [sflag:s8] =	dma.local @!p0 [hbm:s6], $0xF7A  }
0x23: {  	s9 =	sor.u32 $0xD0000000, s2;
	s6 =	simm.s32 $0x108;
	_ =	swait.ge @!p0 [sflag:s8], $0x0  }
0x24: {  	s3 =	sadd.s32 $0x88, s3;
	s6 =	simm.s32 @!p1 $0x1082;
	[sflag:s4] =	ssyncset.s32 $0xFFFFF086  }
0x25: {  	[simem:s6], [sflag:s4] =	dma.local [hbm:s3], $0xF7A  }
0x26: {  	[smem:$0x3F9E] =	sst s1;
	(tag) =	ssettag s2;
	_ =	strace s9  }
0x27: {  	s1 =	sld [smem:$0x3FAE]  }
0x28: {  	s2 =	sld [smem:$0x3FAF]  }
0x29: {  	s4 =	sld [smem:$0x3FB1]  }
0x2a: {  	p0 =	seq.s32 s5, $0x0;
	s5 =	sld [smem:$0x3FB2]  }
0x2b: {  	s6 =	sld [smem:$0x3FB3]  }
0x2c: {  	s7 =	sld [smem:$0x3FB4]  }
0x2d: {  	s3 =	simm.s32 $0x108;
	s8 =	sld [smem:$0x3FB5]  }
0x2e: {  	s3 =	simm.s32 @!p0 $0x1082;
	s9 =	sld [smem:$0x3FB6]  }
0x2f: {  	lr =	sadd.s32 s0, s3;
	s0 =	sld [smem:$0x3FAD]  }
0x30: {  	s3 =	sld [smem:$0x3FB0]  }
0x31: {  	[smem:$0x3FB9] =	sst s10  }
0x32: {  	s10 =	sld [smem:$0x3FB7];
	_ =	sdelay $0x3  }
0x33: {  	p0 =	seq.s32 s10, $0x1;
	s10 =	sld [smem:$0x3FB9];
	_ =	sdelay $0x3  }
0x34: {  	[smem:$0x3FB9] =	sst s10  }
0x35: {  	s10 =	sld [smem:$0x3FB8];
	_ =	sdelay $0x3  }
0x36: {  	p1 =	seq.s32 s10, $0x1;
	s10 =	sld [smem:$0x3FB9];
	_ =	sdelay $0x3  }
0x37: {  	[smem:$0x3FB9] =	sst s10  }
0x38: {  	s10 =	sld [smem:$0x3FBA]  }
0x39: {  	_ = 	snop;
	(pc) =	sbr.ind lr, $3  }
0x3a: {  	_ = 	snop  }
0x3b: {  	_ = 	snop  }
0x3c: {  	p2 =	seq.s32 s10, $0x1;
	s10 =	sld [smem:$0x3FB9]  }
0x3d: {  	_ =	shalt  }
0x3e: {  	_ =	shalt  }
0x3f: {  	_ =	shalt  }
0x40: {  	_ =	shalt  }
0x41: {  	_ =	shalt  }
0x42: {  	_ =	shalt  }
0x43: {  	_ =	shalt  }
0x44: {  	_ =	shalt  }
0x45: {  	_ =	shalt  }
0x46: {  	_ =	shalt  }
0x47: {  	_ =	shalt  }
0x48: {  	_ =	shalt  }
0x49: {  	_ =	shalt  }
0x4a: {  	_ =	shalt  }
0x4b: {  	_ =	shalt  }
0x4c: {  	_ =	shalt  }
0x4d: {  	_ =	shalt  }
0x4e: {  	_ =	shalt  }
0x4f: {  	_ =	shalt  }
0x50: {  	_ =	shalt  }
0x51: {  	_ =	shalt  }
0x52: {  	_ =	shalt  }
0x53: {  	_ =	shalt  }
0x54: {  	_ =	shalt  }
0x55: {  	_ =	shalt  }
0x56: {  	_ =	shalt  }
0x57: {  	_ =	shalt  }
0x58: {  	_ =	shalt  }
0x59: {  	_ =	shalt  }
0x5a: {  	_ =	shalt  }
0x5b: {  	_ =	shalt  }
0x5c: {  	_ =	shalt  }
0x5d: {  	_ =	shalt  }
0x5e: {  	_ =	shalt  }
0x5f: {  	_ =	shalt  }
0x60: {  	_ =	shalt  }
0x61: {  	_ =	shalt  }
0x62: {  	_ =	shalt  }
0x63: {  	_ =	shalt  }
0x64: {  	_ =	shalt  }
0x65: {  	_ =	shalt  }
0x66: {  	_ =	shalt  }
0x67: {  	_ =	shalt  }
0x68: {  	_ =	shalt  }
0x69: {  	_ =	shalt  }
0x6a: {  	_ =	shalt  }
0x6b: {  	_ =	shalt  }
0x6c: {  	_ =	shalt  }
0x6d: {  	_ =	shalt  }
0x6e: {  	_ =	shalt  }
0x6f: {  	_ =	shalt  }
0x70: {  	_ =	shalt  }
0x71: {  	_ =	shalt  }
0x72: {  	_ =	shalt  }
0x73: {  	_ =	shalt  }
0x74: {  	_ =	shalt  }
0x75: {  	_ =	shalt  }
0x76: {  	_ =	shalt  }
0x77: {  	_ =	shalt  }
0x78: {  	_ =	shalt  }
0x79: {  	_ =	shalt  }
0x7a: {  	_ =	shalt  }
0x7b: {  	_ =	shalt  }
0x7c: {  	_ =	shalt  }
0x7d: {  	_ =	shalt  }
0x7e: {  	_ =	shalt  }
0x7f: {  	_ =	shalt  }
0x80: {  	_ =	shalt  }
0x81: {  	_ =	shalt  }
0x82: {  	_ =	shalt  }
0x83: {  	_ =	shalt  }
0x84: {  	_ =	shalt  }
0x85: {  	_ =	shalt  }
0x86: {  	_ =	shalt  }
0x87: {  	_ =	shalt  }
.Lfunc_end0:
.L_simem_size_0:
called_computation.1_lowered:
.L_overlay_start_0:
0x88: {  	s2 =	sld [smem:$0x3FD9]  }
0x89: {  	s3 =	sld [smem:$0x3FFE];
	_ =	sdelay $0x1  }
0x8a: {  	s1 =	srdreg.scid  }
0x8b: {  	s0 =	sand.u32 $0x1, s1  }
0x8c: {  	s17 =	sshll.u32 s0, $0xA;
	s2 =	sadd.s32 s3, s2  }
0x8d: {  	s2 =	sadd.s32 s2, s17  }
0x8e: {  	[smem:$0x3FC5] =	sst s2  }
0x8f: {  	_ = 	snop  }
0x90: {  	s2 =	sld [smem:$0x3FD0];
	(tm) =	ssettm $0x1  }
0x91: {  	s18 =	sld [smem:$0x3FFB];
	_ =	sdelay $0x3  }
0x92: {  	_ =	strace s18  }
0x93: {  	s3 =	sld [smem:$0x3FFC];
	_ =	sdelay $0x3  }
0x94: {  	_ =	strace s3  }
0x95: {  	s3 =	sld [smem:$0x3FFD];
	_ =	sdelay $0x3  }
0x96: {  	_ =	strace s3  }
0x97: {  	_ =	strace $0x8FFFFFFF  }
0x98: {  	s19 =	sld [smem:$0x3FDB];
	_ =	sdelay $0x1  }
0x99: {  	s4 =	simm.s32 $_scs_section_size  }
0x9a: {  	s5 =	simm.s32 $_size__tile_overlayer_lowered;
	s6 =	simm.s32 $_tile_overlayer_lowered  }
0x9b: {  	s22 =	simm.s32 $0x1BFF;
	s21 =	sshll.u32 s6, $0x1;
	s3 =	sadd.s32 s4, s19  }
0x9c: {  	s7 =	simm.s32 $0x0;
	s20 =	sshll.u32 s5, $0x1;
	s5 =	sadd.s32 s21, s3  }
0x9d: {  	[timem:s7], [sflag:s22] =	dma.local [hbm:s5], s20  }
0x9e: {  	_ =	swait.ge [sflag:s22], s20  }
0x9f: {  	s4 =	ssub.s32 $0x0, s20;
	[sflag:s22] =	ssyncset.done $0x0  }
0xa0: {  	[sflag:s22] =	ssyncadd.s32 s4;
	_ =	sdelay $0x1  }
0xa1: {  	s23 =	simm.s32 $0x1B8B  }
0xa2: {  	_ =	swait.ge [sflag:s23], $0x1  }
0xa3: {  	[sflag:s23] =	ssyncset.done $0x0  }
0xa4: {  	s25 =	simm.s32 $0x1B8E;
	s24 =	sld [smem:$0x3FFE];
	[sflag:s23] =	ssyncadd.s32 $0xFFFFFFFF  }
0xa5: {  	s26 =	simm.s32 $execute0_lowered;
	[smem:$0x3FD2] =	sst s25  }
0xa6: {  	s5 =	sshll.u32 s26, $0x1;
	_ =	strace $0x80000046;
	[dreg:$0x1] =	wrdreg $0xFFFFFFFF  }
0xa7: {  	s28 =	simm.s32 $_size_execute0_lowered;
	s3 =	sadd.s32 s3, s5;
	[dreg:$0x0] =	wrdreg $0x0  }
0xa8: {  	s5 =	sshll.u32 s28, $0x1;
	[dreg:$0x2] =	wrdreg s3  }
0xa9: {  	[dreg:$0x3] =	wrdreg s5  }
0xaa: {  	[dreg:$0x4] =	wrdreg $0xC0  }
0xab: {  	_ =	task [dreg:s7], $0x5FFFF  }
0xac: {  	[dreg:$0x1] =	wrdreg $0xFFFFFFFF  }
0xad: {  	[dreg:$0x0] =	wrdreg $0x60  }
0xae: {  	[dreg:$0x2] =	wrdreg s24  }
0xaf: {  	[dreg:$0x3] =	wrdreg s2  }
0xb0: {  	[dreg:$0x4] =	wrdreg $0x9  }
0xb1: {  	_ =	task.clear_ibuf [dreg:s7], $0x5FFFF;
	_ =	strace $0x90000046  }
0xb2: {  	s29 =	simm.s32 $0x9;
	_ =	strace $0x80000048  }
0xb3: {  	_ =	swait.ge [sflag:s29], $0x1  }
0xb4: {  	[sflag:s29] =	ssyncadd.s32 $0xFFFFFFFF  }
0xb5: {  	_ =	strace $0x90000048  }
0xb6: {  	_ =	sfence  }
0xb7: {  	s30 =	sld [smem:$0x0];
	_ =	sdelay $0x2  }
0xb8: {  	s31 =	sshll.u32 s1, $0xD;
	s1 =	sshrl.u32 s1, $0x2  }
0xb9: {  	s3 =	sand.u32 $0x4000, s31;
	s1 =	sadd.s32 s1, s30  }
0xba: {  	s0 =	sor.u32 s3, s0;
	s1 =	sshll.u32 s1, $0x11  }
0xbb: {  	s0 =	sor.u32 s1, s0  }
0xbc: {  	s0 =	sadd.s32 $0x8F2B, s0  }
0xbd: {  	[sflag:s0] =	ssyncadd.remote.s32 $0x1  }
0xbe: {  	_ =	sfence.sel $0xFFFF  }
0xbf: {  	[dreg:$0x0] =	wrdreg $0xFFFFFFFF;
	(pc) =	sbr.abs _section_cstart, $3  }
0xc0: {  	[dreg:$0x1] =	wrdreg $0xFFFFFFFF  }
0xc1: {  	_ =	task.clear_ibuf [dreg:s7], $0x2FFFF;
	_ =	strace $0x9FFFFFFF  }
0xc2: {  	(tm) =	ssettm $0x7FFFFFFF  }
0xc3: {  	_ =	shalt  }
tec
execute0_lowered:
.L_overlay_start_1:
0x0: {  	(tag) =	ssettag $0x1  }
0x1: {  	s0 =	srdreg.scid  }
0x2: {  	s2 =	stileid.u32;
	s1 =	rddreg [dreg:$0x0];
	s9 =	simm.s32 $0x5  }
0x3: {  	s10 =	simm.s32 $0x2580;
	s11 =	simm.s32 $0x80;
	s12 =	simm.s32 $0x6580  }
0x4: {  	s13 =	simm.s32 $0x1;
	s14 =	simm.s32 $0xA580;
	s15 =	simm.s32 $0x2  }
0x5: {  	s16 =	simm.s32 $0xC580;
	s0 =	sand.u32 $0x1, s0;
	s3 =	sshll.u32 s2, $0x1  }
0x6: {  	s17 =	simm.s32 $0x3;
	s18 =	simm.s32 $0x4;
	s4 =	sor.u32 s0, s3  }
0x7: {  	s19 =	simm.s32 $0x0;
	s2 =	rddreg [dreg:$0x1];
	s4 =	smul.u32 $0x1900, s4  }
0x8: {  	s6 =	sadd.s32 $0x400, s1;
	s3 =	simm.s32 $0x0;
	s0 =	ssub.s32 $0x2, s0  }
0x9: {  	[smem:$0x7FF] =	sst s3;
	s8 =	sshrl.u32 s0, $0x1;
	s5 =	sshrl.u32 s4, $0x3  }
0xa: {  	_ =	strace $0x80000047;
	s0 =	ssub.s32 s0, s8;
	s7 =	sadd.s32 s5, s1  }
0xb: {  	s8 =	smax.u32 s0, $0x1;
	s5 =	sadd.s32 $0x6A00, s1;
	s7 =	sadd.s32 $0x600, s7  }
.LBB2_1:
0xc: {  	[tilespmem:s3], [sflag:$0x5] =	stream.linear.gather [hbm4b:s7+s3], $0x1900, $0x38;
	[tilespmem:$0xE580] =	vst v63  }
0xd: {  	_ =	swait.ge [sflag:s9], $0x1900  }
0xe: {  	[sflag:s9] =	ssyncset.done $0x0  }
0xf: {  	s20 =	simm.s32 $0x1900;
	[sflag:s9] =	ssyncadd.s32 $0xFFFFE700  }
0x10: {  	[tilespmem:s20], [sflag:$0x5] =	stream.linear.gather [hbm4b:s6+s3], $0xC80, $0x38;
	[tilespmem:$0xE580] =	vst v63  }
0x11: {  	_ =	swait.ge [sflag:s9], $0xC80  }
0x12: {  	s21 =	simm.s32 $0x80;
	[sflag:s9] =	ssyncset.done $0x0  }
0x13: {  	s22 =	simm.s32 $0x0;
	s23 =	simm.s32 $0x0;
	[sflag:s9] =	ssyncadd.s32 $0xFFFFF380  }
0x14: {  	[tilespmem:s10], [sflag:$0x1] =	stream.indirect.gather [hbm4b:s5+s11], $0x80, s3, s11, $0xb8;
	[tilespmem:$0xE580] =	vst v63  }
.LBB2_2:
0x15: {  	p0 =	seq.s32 s23, $0x0  }
0x16: {  	s0 =	simm.s32 @!p0 $0x4  }
0x17: {  	s1 =	sshllo.u32 s23, $0x1;
	_ =	swait.ge @!p0 [sflag:s0], $0x2000  }
0x18: {  	s25 =	smulhi.u32 $0x51EB851F, s22;
	s24 =	sshll.u32 s1, $0x7;
	[sflag:s0] =	ssyncset.done @!p0 $0x0  }
0x19: {  	s1 =	sand.u32 $0x3FFFFF80, s24;
	[sflag:s0] =	ssyncadd.s32 @!p0 $0xFFFFE000  }
0x1a: {  	[tilespmem:s12], [sflag:$0x2] =	stream.indirect.gather [hbm4b:s5+s11], $0x80, s1, s11, $0xb8;
	[tilespmem:$0xE580] =	vst v63  }
0x1b: {  	s26 =	sshrl.u32 s25, $0x4;
	_ =	swait.ge [sflag:s13], $0x4000  }
0x1c: {  	s0 =	smul.u32 $0xFFFFCE00, s26;
	[sflag:s13] =	ssyncset.done $0x0  }
0x1d: {  	s26 =	simm.s32 $0x25A0;
	[sflag:s13] =	ssyncadd.s32 $0xFFFFC000  }
0x1e: {  	s0 =	sshra.s32 s0, $0x2;
	v0 =	vld [tilespmem:s26+$0xFFFFFFE0]  }
0x1f: {  	s0 =	sadd.s32 s0, s20  }
0x20: {  	v1 =	vld [tilespmem:s0+$0x0];
	_ =	sdelay $0x2  }
0x21: {  	v0 =	vmul.f32 $8.000000000e+00, v0;
	_ =	sdelay $0x1  }
0x22: {  	v0 =	vadd.f32 v1, v0  }
0x23: {  	s29 =	simm.s32 $0x0  }
0x24: {  	[tilespmem:s29+$0xA580] =	vst v0  }
0x25: {  	v0 =	vld [tilespmem:s26+$0xFFFFFFF0];
	_ =	sdelay $0x1  }
0x26: {  	v1 =	vld [tilespmem:s0+$0x10];
	_ =	sdelay $0x2  }
0x27: {  	v0 =	vmul.f32 $8.000000000e+00, v0;
	_ =	sdelay $0x1  }
0x28: {  	v0 =	vadd.f32 v1, v0;
	_ =	sdelay $0x1  }
0x29: {  	[tilespmem:s29+$0xA590] =	vst v0  }
0x2a: {  	v0 =	vld [tilespmem:s26+$0x0];
	_ =	sdelay $0x1  }
0x2b: {  	v1 =	vld [tilespmem:s0+$0x20];
	_ =	sdelay $0x2  }
0x2c: {  	v0 =	vmul.f32 $8.000000000e+00, v0;
	_ =	sdelay $0x1  }
0x2d: {  	v0 =	vadd.f32 v1, v0;
	_ =	sdelay $0x1  }
0x2e: {  	[tilespmem:s29+$0xA5A0] =	vst v0  }
0x2f: {  	v1 =	vld [tilespmem:s26+$0x10];
	_ =	sdelay $0x1  }
0x30: {  	v0 =	vld [tilespmem:s0+$0x30]  }
0x31: {  	s31 =	sadd.s32 $0x1, s22  }
0x32: {  	s28 =	simm.s32 $0x100;
	s0 =	smulhi.u32 $0x51EB851F, s31  }
0x33: {  	s30 =	smov.u32 s20;
	s25 =	sshll.u32 s23, $0x8;
	s1 =	simm.s32 $0x200;
	v1 =	vmul.f32 $8.000000000e+00, v1  }
.LBB2_3:
0x34: {  	p0 =	sne.s32 s1, $0x7F00;
	s0 =	sshrl.u32 s0, $0x4  }
0x35: {  	s0 =	smul.u32 $0xFFFFCE00, s0;
	v0 =	vadd.f32 v0, v1;
	_ =	sdelay $0x1  }
0x36: {  	s30 =	sadd.s32 $0x40, s30;
	s26 =	sadd.s32 $0x80, s26;
	s0 =	sshra.s32 s0, $0x2;
	[tilespmem:s29+$0xA5B0] =	vst v0  }
0x37: {  	s0 =	sadd.s32 s0, s30;
	v0 =	vld [tilespmem:s26+$0xFFFFFFE0]  }
0x38: {  	v1 =	vld [tilespmem:s0+$0x0];
	_ =	sdelay $0x3  }
0x39: {  	v0 =	vmul.f32 $8.000000000e+00, v0;
	_ =	sdelay $0x1  }
0x3a: {  	v0 =	vadd.f32 v1, v0  }
0x3b: {  	s29 =	sshra.s32 s28, $0x2;
	s28 =	smov.u32 s1  }
0x3c: {  	[tilespmem:s29+$0xA580] =	vst v0  }
0x3d: {  	v0 =	vld [tilespmem:s26+$0xFFFFFFF0];
	_ =	sdelay $0x1  }
0x3e: {  	v1 =	vld [tilespmem:s0+$0x10];
	_ =	sdelay $0x2  }
0x3f: {  	v0 =	vmul.f32 $8.000000000e+00, v0;
	_ =	sdelay $0x1  }
0x40: {  	v0 =	vadd.f32 v1, v0;
	_ =	sdelay $0x1  }
0x41: {  	[tilespmem:s29+$0xA590] =	vst v0  }
0x42: {  	v0 =	vld [tilespmem:s26+$0x0];
	_ =	sdelay $0x1  }
0x43: {  	v1 =	vld [tilespmem:s0+$0x20];
	_ =	sdelay $0x2  }
0x44: {  	v0 =	vmul.f32 $8.000000000e+00, v0;
	_ =	sdelay $0x1  }
0x45: {  	v0 =	vadd.f32 v1, v0;
	_ =	sdelay $0x1  }
0x46: {  	[tilespmem:s29+$0xA5A0] =	vst v0  }
0x47: {  	v1 =	vld [tilespmem:s26+$0x10]  }
.Ltmp0:
0x48: {  	v0 =	vld [tilespmem:s0+$0x30];
	(pc) =	sbr.rel @p0 .LBB2_3-.Ltmp0, $4  }
0x49: {  	_ = 	snop  }
0x4a: {  	s31 =	sadd.s32 $0x1, s31  }
0x4b: {  	s0 =	smulhi.u32 $0x51EB851F, s31  }
0x4c: {  	s1 =	sadd.s32 $0x100, s1;
	v1 =	vmul.f32 $8.000000000e+00, v1  }
0x4d: {  	_ = 	snop  }
0x4e: {  	s0 =	sshrl.u32 s0, $0x4;
	v0 =	vadd.f32 v0, v1  }
0x4f: {  	s0 =	smul.u32 $0xFFFFCE00, s0  }
0x50: {  	s1 =	sadd.s32 $0x80, s26;
	[tilespmem:s29+$0xA5B0] =	vst v0  }
0x51: {  	s30 =	sadd.s32 $0x40, s30;
	s0 =	sshra.s32 s0, $0x2;
	v0 =	vld [tilespmem:s1+$0xFFFFFFE0]  }
0x52: {  	s0 =	sadd.s32 s0, s30  }
0x53: {  	v1 =	vld [tilespmem:s0+$0x0];
	_ =	sdelay $0x2  }
0x54: {  	v0 =	vmul.f32 $8.000000000e+00, v0;
	_ =	sdelay $0x1  }
0x55: {  	v0 =	vadd.f32 v1, v0  }
0x56: {  	s31 =	sshra.s32 s28, $0x2  }
0x57: {  	[tilespmem:s31+$0xA580] =	vst v0  }
0x58: {  	v0 =	vld [tilespmem:s1+$0xFFFFFFF0];
	_ =	sdelay $0x1  }
0x59: {  	v1 =	vld [tilespmem:s0+$0x10];
	_ =	sdelay $0x2  }
0x5a: {  	v0 =	vmul.f32 $8.000000000e+00, v0;
	_ =	sdelay $0x1  }
0x5b: {  	v0 =	vadd.f32 v1, v0;
	_ =	sdelay $0x1  }
0x5c: {  	[tilespmem:s31+$0xA590] =	vst v0  }
0x5d: {  	v0 =	vld [tilespmem:s1+$0x0];
	_ =	sdelay $0x1  }
0x5e: {  	v1 =	vld [tilespmem:s0+$0x20];
	_ =	sdelay $0x2  }
0x5f: {  	v0 =	vmul.f32 $8.000000000e+00, v0;
	_ =	sdelay $0x1  }
0x60: {  	v0 =	vadd.f32 v1, v0;
	_ =	sdelay $0x1  }
0x61: {  	[tilespmem:s31+$0xA5A0] =	vst v0  }
0x62: {  	v0 =	vld [tilespmem:s1+$0x10];
	_ =	sdelay $0x1  }
0x63: {  	v1 =	vld [tilespmem:s0+$0x30];
	_ =	sdelay $0x2  }
0x64: {  	v0 =	vmul.f32 $8.000000000e+00, v0;
	_ =	sdelay $0x1  }
0x65: {  	s25 =	sadd.s32 s4, s25;
	v0 =	vadd.f32 v1, v0  }
0x66: {  	s0 =	sshll.u32 s25, $0x3  }
0x67: {  	p0 =	seq.s32 s23, $0x18;
	s0 =	sadd.s32 s2, s0;
	[tilespmem:s31+$0xA5B0] =	vst v0  }
0x68: {  	[hbm4b:s0+s3] =	stream.linear.scatter [tilespmem:s14], [sflag:$0x3], $0x2000, $0x38;
	[tilespmem:$0xE580] =	vst v63  }
0x69: {  	s30 =	smulhi.u32 $0x51EB851F, s21;
	s0 =	simm.s32 @!p0 $0x3  }
0x6a: {  	s1 =	sshll.u32 @!p0 s23, $0x8;
	s25 =	simm.s32 @!p0 $0x2580;
	_ =	swait.ge @!p0 [sflag:s0], $0x2000  }
0x6b: {  	s1 =	sand.u32 @!p0 $0x3FFFFF00, s1;
	s31 =	sshrl.u32 s30, $0x4;
	[sflag:s0] =	ssyncset.done @!p0 $0x0  }
0x6c: {  	[sflag:s0] =	ssyncadd.s32 @!p0 $0xFFFFE000;
	s0 =	sadd.s32 @!p0 $0x100, s1;
	s1 =	simm.s32 @!p0 $0x80  }
0x6d: {  	[tilespmem:s25], [sflag:$0x1] =	stream.indirect.gather @!p0 [hbm4b:s5+s1], $0x80, s0, s1, $0xb8;
	[tilespmem:$0xE580] =	vst v63  }
0x6e: {  	s0 =	smul.u32 $0xFFFFCE00, s31;
	_ =	swait.ge [sflag:s15], $0x4000  }
0x6f: {  	[sflag:s15] =	ssyncset.done $0x0  }
0x70: {  	s25 =	simm.s32 $0x65A0;
	s0 =	sshra.s32 s0, $0x2;
	[sflag:s15] =	ssyncadd.s32 $0xFFFFC000  }
0x71: {  	s0 =	sadd.s32 s0, s20;
	v0 =	vld [tilespmem:s25+$0xFFFFFFE0]  }
0x72: {  	s0 =	sadd.s32 $0x0, s0  }
0x73: {  	v1 =	vld [tilespmem:s0+$0x2000];
	_ =	sdelay $0x2  }
0x74: {  	v0 =	vmul.f32 $8.000000000e+00, v0;
	_ =	sdelay $0x1  }
0x75: {  	v0 =	vadd.f32 v1, v0  }
0x76: {  	s26 =	simm.s32 $0x0  }
0x77: {  	[tilespmem:s26+$0xC580] =	vst v0  }
0x78: {  	v0 =	vld [tilespmem:s25+$0xFFFFFFF0];
	_ =	sdelay $0x1  }
0x79: {  	v1 =	vld [tilespmem:s0+$0x2010];
	_ =	sdelay $0x2  }
0x7a: {  	v0 =	vmul.f32 $8.000000000e+00, v0;
	_ =	sdelay $0x1  }
0x7b: {  	v0 =	vadd.f32 v1, v0;
	_ =	sdelay $0x1  }
0x7c: {  	[tilespmem:s26+$0xC590] =	vst v0  }
0x7d: {  	v0 =	vld [tilespmem:s25+$0x0];
	_ =	sdelay $0x1  }
0x7e: {  	v1 =	vld [tilespmem:s0+$0x2020];
	_ =	sdelay $0x2  }
0x7f: {  	v0 =	vmul.f32 $8.000000000e+00, v0;
	_ =	sdelay $0x1  }
0x80: {  	v0 =	vadd.f32 v1, v0;
	_ =	sdelay $0x1  }
0x81: {  	[tilespmem:s26+$0xC5A0] =	vst v0  }
0x82: {  	v1 =	vld [tilespmem:s25+$0x10];
	_ =	sdelay $0x1  }
0x83: {  	s29 =	sadd.s32 $0x1, s21;
	v0 =	vld [tilespmem:s0+$0x2030]  }
0x84: {  	s0 =	smulhi.u32 $0x51EB851F, s29  }
0x85: {  	s28 =	simm.s32 $0x100;
	s1 =	simm.s32 $0x200  }
.LBB2_5:
0x86: {  	p0 =	sne.s32 s1, $0x7F00;
	s0 =	sshrl.u32 s0, $0x4;
	v1 =	vmul.f32 $8.000000000e+00, v1  }
0x87: {  	s0 =	smul.u32 $0xFFFFCE00, s0  }
0x88: {  	v0 =	vadd.f32 v0, v1  }
0x89: {  	s0 =	sshra.s32 s0, $0x2  }
0x8a: {  	s25 =	sadd.s32 $0x80, s25;
	s0 =	sadd.s32 s0, s20;
	[tilespmem:s26+$0xC5B0] =	vst v0;
	s26 =	sshra.s32 s28, $0x2  }
0x8b: {  	s28 =	smov.u32 s1;
	v0 =	vld [tilespmem:s25+$0xFFFFFFE0];
	s0 =	sadd.s32 s26, s0  }
0x8c: {  	v1 =	vld [tilespmem:s0+$0x2000];
	_ =	sdelay $0x3  }
0x8d: {  	v0 =	vmul.f32 $8.000000000e+00, v0;
	_ =	sdelay $0x1  }
0x8e: {  	v0 =	vadd.f32 v1, v0;
	_ =	sdelay $0x1  }
0x8f: {  	[tilespmem:s26+$0xC580] =	vst v0  }
0x90: {  	v0 =	vld [tilespmem:s25+$0xFFFFFFF0];
	_ =	sdelay $0x1  }
0x91: {  	v1 =	vld [tilespmem:s0+$0x2010];
	_ =	sdelay $0x2  }
0x92: {  	v0 =	vmul.f32 $8.000000000e+00, v0;
	_ =	sdelay $0x1  }
0x93: {  	v0 =	vadd.f32 v1, v0;
	_ =	sdelay $0x1  }
0x94: {  	[tilespmem:s26+$0xC590] =	vst v0  }
0x95: {  	v0 =	vld [tilespmem:s25+$0x0];
	_ =	sdelay $0x1  }
0x96: {  	v1 =	vld [tilespmem:s0+$0x2020];
	_ =	sdelay $0x2  }
0x97: {  	v0 =	vmul.f32 $8.000000000e+00, v0;
	_ =	sdelay $0x1  }
0x98: {  	v0 =	vadd.f32 v1, v0;
	_ =	sdelay $0x1  }
0x99: {  	[tilespmem:s26+$0xC5A0] =	vst v0  }
.Ltmp1:
0x9a: {  	v1 =	vld [tilespmem:s25+$0x10];
	(pc) =	sbr.rel @p0 .LBB2_5-.Ltmp1, $4  }
0x9b: {  	v0 =	vld [tilespmem:s0+$0x2030]  }
0x9c: {  	s29 =	sadd.s32 $0x1, s29  }
0x9d: {  	s0 =	smulhi.u32 $0x51EB851F, s29  }
0x9e: {  	s1 =	sadd.s32 $0x100, s1  }
0x9f: {  	v1 =	vmul.f32 $8.000000000e+00, v1  }
0xa0: {  	s0 =	sshrl.u32 s0, $0x4  }
0xa1: {  	s0 =	smul.u32 $0xFFFFCE00, s0;
	v0 =	vadd.f32 v0, v1;
	_ =	sdelay $0x1  }
0xa2: {  	s1 =	sadd.s32 $0x80, s25;
	s0 =	sshra.s32 s0, $0x2;
	[tilespmem:s26+$0xC5B0] =	vst v0  }
0xa3: {  	s30 =	sshra.s32 s28, $0x2;
	s0 =	sadd.s32 s0, s20;
	v0 =	vld [tilespmem:s1+$0xFFFFFFE0]  }
0xa4: {  	s0 =	sadd.s32 s30, s0  }
0xa5: {  	v60 =	vld [tilespmem:s0+$0x2000];
	_ =	sdelay $0x2  }
0xa6: {  	v0 =	vmul.f32 $8.000000000e+00, v0;
	_ =	sdelay $0x1  }
0xa7: {  	v0 =	vadd.f32 v60, v0;
	_ =	sdelay $0x1  }
0xa8: {  	[tilespmem:s30+$0xC580] =	vst v0  }
0xa9: {  	v0 =	vld [tilespmem:s1+$0xFFFFFFF0];
	_ =	sdelay $0x1  }
0xaa: {  	v61 =	vld [tilespmem:s0+$0x2010];
	_ =	sdelay $0x2  }
0xab: {  	v0 =	vmul.f32 $8.000000000e+00, v0;
	_ =	sdelay $0x1  }
0xac: {  	v0 =	vadd.f32 v61, v0;
	_ =	sdelay $0x1  }
0xad: {  	[tilespmem:s30+$0xC590] =	vst v0  }
0xae: {  	v0 =	vld [tilespmem:s1+$0x0];
	_ =	sdelay $0x1  }
0xaf: {  	v62 =	vld [tilespmem:s0+$0x2020];
	_ =	sdelay $0x2  }
0xb0: {  	v0 =	vmul.f32 $8.000000000e+00, v0;
	_ =	sdelay $0x1  }
0xb1: {  	v0 =	vadd.f32 v62, v0;
	_ =	sdelay $0x1  }
0xb2: {  	[tilespmem:s30+$0xC5A0] =	vst v0  }
0xb3: {  	v0 =	vld [tilespmem:s1+$0x10];
	_ =	sdelay $0x1  }
0xb4: {  	v63 =	vld [tilespmem:s0+$0x2030];
	_ =	sdelay $0x1  }
0xb5: {  	s23 =	sadd.s32 $0x1, s23  }
0xb6: {  	p0 =	sne.s32 s23, $0x19;
	v0 =	vmul.f32 $8.000000000e+00, v0  }
.Ltmp2:
0xb7: {  	s31 =	sadd.s32 s4, s24;
	(pc) =	sbr.rel @p0 .LBB2_2-.Ltmp2, $4  }
0xb8: {  	s0 =	sshll.u32 s31, $0x3;
	v0 =	vadd.f32 v63, v0  }
0xb9: {  	s22 =	sadd.s32 $0x100, s22;
	s0 =	sand.u32 $0x1FFFFC00, s0  }
0xba: {  	s21 =	sadd.s32 $0x100, s21;
	s20 =	sadd.s32 $0x4000, s20;
	s0 =	sadd.s32 s2, s0;
	[tilespmem:s30+$0xC5B0] =	vst v0  }
0xbb: {  	[hbm4b:s0+s3] =	stream.linear.scatter [tilespmem:s16], [sflag:$0x4], $0x2000, $0x38;
	[tilespmem:$0xE580] =	vst v63  }
0xbc: {  	s19 =	sadd.s32 $0x1, s19  }
0xbd: {  	_ =	swait.ge [sflag:s17], $0x2000;
	p0 =	sne.s32 s19, s8  }
.Ltmp3:
0xbe: {  	[sflag:s17] =	ssyncset.done $0x0;
	(pc) =	sbr.rel @p0 .LBB2_1-.Ltmp3, $4  }
0xbf: {  	[sflag:s17] =	ssyncadd.s32 $0xFFFFE000  }
0xc0: {  	_ =	swait.ge [sflag:s18], $0x2000  }
0xc1: {  	[sflag:s18] =	ssyncset.done $0x0  }
0xc2: {  	[sflag:s18] =	ssyncadd.s32 $0xFFFFE000  }
0xc3: {  	_ =	sfence.sel $0x180000  }
0xc4: {  	[bflag:$0x0] =	sbarrier.arrive $0xFFFF  }
0xc5: {  	_ =	strace $0x90000047  }
0xc6: {  	s0 =	stileid.u32;
	[bflag:$0x2] =	sbarrier.arrive $0xFFFF  }
0xc7: {  	p0 =	sne.s32 s0, $0x0;
	s0 =	rddreg [dreg:$0x2]  }
0xc8: {  	s0 =	sadd.s32 @!p0 $0x100000, s0  }
0xc9: {  	[sflag:s0] =	ssyncadd.tile.s32 @!p0 $0x1;
	_ =	shalt  }
.Lfunc_end2:
_tile_overlayer_lowered:
.L_overlay_start_2:
0xca: {  	(tag) =	ssettag $0x2  }
0xcb: {  	s0 =	rddreg [dreg:$0x0];
	s2 =	stileid.u32  }
0xcc: {  	s1 =	rddreg [dreg:$0x1];
	p0 =	sne.s32 s2, $0x0  }
0xcd: {  	s3 =	rddreg [dreg:$0x2];
	[bflag:$0x3] =	sbarrier.arrive $0xFFFF;
	s2 =	simm.s32 @!p0 $0x1C05  }
0xce: {  	[timem:s3], [sflag:s2] =	dma.local @!p0 [hbm:s0], s1  }
0xcf: {  	s0 =	simm.s32 @!p0 $0x5  }
0xd0: {  	_ =	swait.ge @!p0 [sflag:s0], s1  }
0xd1: {  	s1 =	ssub.s32 @!p0 $0x0, s1;
	[sflag:s0] =	ssyncset.done @!p0 $0x0  }
0xd2: {  	[sflag:s0] =	ssyncadd.s32 @!p0 s1  }
0xd3: {  	[bflag:$0x3] =	sbarrier.arrive $0xFFFF  }
0xd4: {  	_ =	shalt  }

// kernel: sparse-core-data-format-call.cloned.1.call-start
scs
called_computation_lowered:
.L_overlay_start_0:
0x0: {  	s2 =	sld [smem:$0x3FD9]  }
0x1: {  	s3 =	sld [smem:$0x3FFE];
	_ =	sdelay $0x1  }
0x2: {  	s1 =	srdreg.scid  }
0x3: {  	s0 =	sand.u32 $0x1, s1  }
0x4: {  	s18 =	sshll.u32 s0, $0xA;
	s2 =	sadd.s32 s3, s2  }
0x5: {  	s2 =	sadd.s32 s2, s18  }
0x6: {  	[smem:$0x3FC5] =	sst s2  }
0x7: {  	_ = 	snop  }
0x8: {  	s2 =	sld [smem:$0x3FD0];
	(tm) =	ssettm $0x1  }
0x9: {  	s19 =	sld [smem:$0x3FFB];
	_ =	sdelay $0x3  }
0xa: {  	_ =	strace s19  }
0xb: {  	s3 =	sld [smem:$0x3FFC];
	_ =	sdelay $0x3  }
0xc: {  	_ =	strace s3  }
0xd: {  	s3 =	sld [smem:$0x3FFD];
	_ =	sdelay $0x3  }
0xe: {  	_ =	strace s3  }
0xf: {  	_ =	strace $0x8FFFFFFF  }
0x10: {  	s20 =	sld [smem:$0x3FDB];
	_ =	sdelay $0x1  }
0x11: {  	s4 =	simm.s32 $_scs_section_size  }
0x12: {  	s5 =	simm.s32 $_size__tile_overlayer_lowered;
	s6 =	simm.s32 $_tile_overlayer_lowered  }
0x13: {  	s23 =	simm.s32 $0x1BFF;
	s22 =	sshll.u32 s6, $0x1;
	s3 =	sadd.s32 s4, s20  }
0x14: {  	s7 =	simm.s32 $0x0;
	s21 =	sshll.u32 s5, $0x1;
	s5 =	sadd.s32 s22, s3  }
0x15: {  	[timem:s7], [sflag:s23] =	dma.local [hbm:s5], s21  }
0x16: {  	_ =	swait.ge [sflag:s23], s21  }
0x17: {  	s4 =	ssub.s32 $0x0, s21;
	[sflag:s23] =	ssyncset.done $0x0  }
0x18: {  	[sflag:s23] =	ssyncadd.s32 s4;
	_ =	sdelay $0x1  }
0x19: {  	s24 =	simm.s32 $0x1B8B  }
0x1a: {  	_ =	swait.ge [sflag:s24], $0x1  }
0x1b: {  	[sflag:s24] =	ssyncset.done $0x0  }
0x1c: {  	s26 =	simm.s32 $0x1B8E;
	s25 =	sld [smem:$0x3FFE];
	[sflag:s24] =	ssyncadd.s32 $0xFFFFFFFF  }
0x1d: {  	s27 =	simm.s32 $execute0_lowered;
	[smem:$0x3FD2] =	sst s26  }
0x1e: {  	s5 =	sshll.u32 s27, $0x1;
	_ =	strace $0x80000049;
	[dreg:$0x1] =	wrdreg $0xFFFFFFFF  }
0x1f: {  	s28 =	simm.s32 $_size_execute0_lowered;
	s3 =	sadd.s32 s3, s5;
	[dreg:$0x0] =	wrdreg $0x0  }
0x20: {  	s5 =	sshll.u32 s28, $0x1;
	[dreg:$0x2] =	wrdreg s3  }
0x21: {  	[dreg:$0x3] =	wrdreg s5  }
0x22: {  	[dreg:$0x4] =	wrdreg $0xC0  }
0x23: {  	_ =	task [dreg:s7], $0x5FFFF  }
0x24: {  	[dreg:$0x1] =	wrdreg $0xFFFFFFFF  }
0x25: {  	[dreg:$0x0] =	wrdreg $0x60  }
0x26: {  	[dreg:$0x2] =	wrdreg s25  }
0x27: {  	[dreg:$0x3] =	wrdreg s2  }
0x28: {  	[dreg:$0x4] =	wrdreg $0x9  }
0x29: {  	_ =	task.clear_ibuf [dreg:s7], $0x5FFFF;
	_ =	strace $0x90000049  }
0x2a: {  	s29 =	simm.s32 $0x9;
	_ =	strace $0x8000004B  }
0x2b: {  	_ =	swait.ge [sflag:s29], $0x1  }
0x2c: {  	[sflag:s29] =	ssyncadd.s32 $0xFFFFFFFF  }
0x2d: {  	_ =	strace $0x9000004B  }
0x2e: {  	_ =	sfence  }
0x2f: {  	s30 =	sld [smem:$0x0];
	_ =	sdelay $0x2  }
0x30: {  	s31 =	sshll.u32 s1, $0xD;
	s1 =	sshrl.u32 s1, $0x2  }
0x31: {  	s3 =	sand.u32 $0x4000, s31;
	s1 =	sadd.s32 s1, s30  }
0x32: {  	s0 =	sor.u32 s3, s0;
	s1 =	sshll.u32 s1, $0x11  }
0x33: {  	s0 =	sor.u32 s1, s0  }
0x34: {  	s0 =	sadd.s32 $0x8F2B, s0  }
0x35: {  	[sflag:s0] =	ssyncadd.remote.s32 $0x1  }
0x36: {  	_ =	sfence.sel $0xFFFF  }
0x37: {  	[dreg:$0x0] =	wrdreg $0xFFFFFFFF;
	(pc) =	sbr.abs _section_cstart, $3  }
0x38: {  	[dreg:$0x1] =	wrdreg $0xFFFFFFFF  }
0x39: {  	_ =	task.clear_ibuf [dreg:s7], $0x2FFFF;
	_ =	strace $0x9FFFFFFF  }
0x3a: {  	(tm) =	ssettm $0x7FFFFFFF  }
0x3b: {  	_ =	shalt  }
tec
execute0_lowered:
.L_overlay_start_1:
0x0: {  	(tag) =	ssettag $0x1  }
0x1: {  	s0 =	srdreg.scid  }
0x2: {  	s1 =	sshll.u32 s0, $0x4  }
0x3: {  	s0 =	stileid.u32;
	s1 =	sand.u32 $0x10, s1  }
0x4: {  	s1 =	sor.u32 s0, s1  }
0x5: {  	s6 =	rddreg [dreg:$0x0];
	s4 =	simm.s32 $0x1;
	s2 =	sshll.u32 s1, $0x7  }
0x6: {  	s7 =	simm.s32 $0x2;
	s12 =	simm.s32 $0x0;
	s1 =	ssub.s32 $0x1000, s2  }
0x7: {  	s8 =	simm.s32 $0x8000;
	s13 =	simm.s32 $0x0;
	s3 =	sand.u32 $0xF80, s1  }
0x8: {  	s9 =	simm.s32 $0x0;
	s5 =	sshrl.u32 s1, $0xC;
	p0 =	sne.s32 s3, $0x0  }
.Ltmp0:
0x9: {  	s1 =	rddreg [dreg:$0x2];
	s4 =	simm.s32 @!p0 $0x0;
	(pc) =	sbr.rel .LBB1_1-.Ltmp0, $4  }
0xa: {  	s11 =	simm.s32 $0x0;
	s3 =	rddreg [dreg:$0x1];
	s5 =	sadd.s32 s4, s5  }
0xb: {  	_ =	strace $0x8000004A;
	s4 =	simm.s32 $0x1;
	s5 =	smul.u32 $0x32, s5  }
0xc: {  	s6 =	sadd.s32 $0x400, s6;
	s10 =	smov.u32 s2;
	[sflag:s4] =	ssyncpa.u1 $0x0  }
0xd: {  	p0 =	por $0x0, $0x0;
	[sflag:s7] =	ssyncpa.u1 $0x0;
	s7 =	sor.u32 $0x1, s5  }
.LBB1_4:
0xe: {  	s16 =	sshll.u32 s13, $0x3;
	s17 =	sand.u32 $0x78, s13  }
0xf: {  	s30 =	sand.u32 $0x7E00, s13;
	s12 =	sshll.u32 s12, $0xF;
	s16 =	sand.u32 $0xC00, s16  }
0x10: {  	[tilespmem:s15+$0x810 ss:$0x81] =	vst.msk $0xffff, v2;
	s31 =	sand.u32 $0x7, s13;
	s16 =	sor.u32 s17, s16;
	s17 =	sadd.s32 s3, s30  }
0x11: {  	[tilespmem:s15+$0x1020 ss:$0x81] =	vst.msk $0xffff, v0;
	s13 =	sshll.u32 s31, $0x12;
	s12 =	sadd.s32 s12, s17;
	s16 =	sshrl.u32 s16, $0x3  }
0x12: {  	[tilespmem:s15+$0x0 ss:$0x81] =	vst.msk $0xffff, v1;
	s13 =	sor.u32 $0x400, s13;
	s12 =	sadd.s32 s16, s12  }
0x13: {  	[hbm4b:s12+s13] =	stream.strided.scatter [tilespmem:s14], [sflag:$0x2], $0x2000, s8, s13, $0x20;
	[tilespmem:$0x8080] =	vst v63  }
.LBB1_5:
0x14: {  	s14 =	sadd.s32 $0x1, s9  }
0x15: {  	s12 =	sadd.s32 $0x1000, s10;
	s16 =	smov.u32 s10;
	p2 =	sgt.s32 s14, $0x31  }
0x16: {  	s16 =	smov.u32 @p2 s12  }
0x17: {  	s14 =	simm.s32 @p2 $0x0;
	p2 =	sgt.s32 s16, $0xFFF  }
0x18: {  	s16 =	smov.u32 @p2 s2;
	p2 =	sne.s32 s11, s7  }
.Ltmp1:
0x19: {  	p1 =	slt.u32 s11, $0x2;
	(pc) =	sbr.rel @!p2 .LBB1_6-.Ltmp1, $4  }
0x1a: {  	s15 =	simm.s32 @!p1 $0x2  }
0x1b: {  	s13 =	smov.u32 s10;
	p0 =	por !p0, !p0;
	_ =	swait.ge @!p1 [sflag:s15], $0x2000  }
0x1c: {  	s12 =	smov.u32 s9;
	[sflag:s15] =	ssyncset.done @!p1 $0x0;
	s9 =	smov.u32 s14  }
0x1d: {  	s11 =	sadd.s32 $0x1, s11;
	[sflag:s15] =	ssyncadd.s32 @!p1 $0xFFFFE000;
	s10 =	smov.u32 s16  }
.LBB1_1:
0x1e: {  	p1 =	sge.u32 s11, s5  }
0x1f: {  	s14 =	sand.u32 @!p1 $0x1FFFFFF, s9  }
0x20: {  	s15 =	smulhi.u32 @!p1 $0x4924925, s14;
	_ =	sdelay $0x1  }
0x21: {  	s15 =	smul.u32 @!p1 $0x38, s15  }
0x22: {  	s16 =	sxor.u32 @!p1 $0xFFFFFFFF, s11;
	s17 =	smul.u32 @!p1 $0x380, s10  }
0x23: {  	s31 =	sadd.s32 $0xFFFFFFFF, s11;
	s16 =	sshll.u32 @!p1 s16, $0xD;
	s14 =	ssub.s32 @!p1 s14, s15  }
0x24: {  	s15 =	sand.u32 @!p1 $0x2000, s16;
	s16 =	sadd.s32 @!p1 s6, s17;
	s14 =	sshll.u32 @!p1 s14, $0x4  }
0x25: {  	s17 =	simm.s32 @!p1 $0x1C00;
	s14 =	sadd.s32 @!p1 s14, s16;
	s16 =	simm.s32 @!p1 $0x40  }
0x26: {  	[tilespmem:s15], [sflag:$0x1] =	stream.strided.gather @!p1 [hbm4b:s14+s16], $0x2000, s17, s16, $0x38;
	[tilespmem:$0x8080] =	vst v63  }
0x27: {  	p1 =	sge.u32 s31, s5  }
.Ltmp2:
0x28: {  	_ = 	snop;
	(pc) =	sbr.rel @p1 .LBB1_5-.Ltmp2, $1  }
0x29: {  	_ =	sdelay $0x3  }
0x2a: {  	s14 =	simm.s32 $0x1  }
0x2b: {  	_ =	swait.ge [sflag:s4], $0x2000;
	s14 =	simm.s32 @!p0 $0x0  }
0x2c: {  	[sflag:s4] =	ssyncset.done $0x0;
	s15 =	sshll.u32 s14, $0xD  }
0x2d: {  	[sflag:s4] =	ssyncadd.s32 $0xFFFFE000;
	s18 =	sor.u32 $0x20, s15  }
0x2e: {  	s14 =	smul.u32 $0x8100, s14;
	v3 =	vld [tilespmem:s18+$0x10]  }
0x2f: {  	s30 =	sand.u32 $0x1, s11;
	v2 =	vld [tilespmem:s18+$0xFFFFFFF0]  }
0x30: {  	s15 =	smul.u32 $0x8100, s30;
	s14 =	sshrl.u32 s14, $0x2;
	v0 =	vld [tilespmem:s18+$0x0]  }
0x31: {  	v1 =	vld [tilespmem:s18+$0xFFFFFFE0];
	s16 =	sor.u32 $0x4000, s14  }
0x32: {  	s31 =	sshrl.u32 s15, $0x2;
	s15 =	sadd.s32 $0x0, s16  }
0x33: {  	s17 =	simm.s32 $0x4;
	s18 =	sadd.s32 $0x40, s18;
	s14 =	sor.u32 $0x4000, s31;
	[tilespmem:s15+$0x1830 ss:$0x81] =	vst.msk $0xffff, v3  }
.LBB1_3:
0x34: {  	v3 =	vld [tilespmem:s18+$0x10];
	p1 =	sne.s32 s17, $0x1FC;
	[tilespmem:s15+$0x810 ss:$0x81] =	vst.msk $0xffff, v2;
	s19 =	smov.u32 s17;
	s17 =	sadd.s32 $0x4, s17  }
.Ltmp3:
0x35: {  	v2 =	vld [tilespmem:s18+$0xFFFFFFF0];
	[tilespmem:s15+$0x1020 ss:$0x81] =	vst.msk $0xffff, v0;
	(pc) =	sbr.rel @p1 .LBB1_3-.Ltmp3, $4  }
0x36: {  	v0 =	vld [tilespmem:s18+$0x0];
	[tilespmem:s15+$0x0 ss:$0x81] =	vst.msk $0xffff, v1  }
0x37: {  	s15 =	sshra.s32 s19, $0x2;
	v1 =	vld [tilespmem:s18+$0xFFFFFFE0]  }
0x38: {  	s15 =	sadd.s32 s15, s16  }
0x39: {  	s18 =	sadd.s32 $0x40, s18;
	[tilespmem:s15+$0x1830 ss:$0x81] =	vst.msk $0xffff, v3  }
.Ltmp4:
0x3a: {  	_ = 	snop;
	(pc) =	sbr.rel .LBB1_4-.Ltmp4, $1  }
0x3b: {  	_ =	sdelay $0x3  }
.LBB1_6:
0x3c: {  	_ =	sfence.sel $0x180000  }
0x3d: {  	s2 =	simm.s32 $0x1;
	[bflag:$0x0] =	sbarrier.arrive $0xFFFF  }
0x3e: {  	s31 =	simm.s32 $0x2;
	[sflag:s2] =	ssyncpa.u1 $0x1  }
0x3f: {  	[sflag:s31] =	ssyncpa.u1 $0x1  }
0x40: {  	p0 =	sne.s32 s0, $0x0;
	_ =	strace $0x9000004A  }
0x41: {  	s0 =	sadd.s32 @!p0 $0x100000, s1;
	[bflag:$0x2] =	sbarrier.arrive $0xFFFF  }
0x42: {  	[sflag:s0] =	ssyncadd.tile.s32 @!p0 $0x1;
	_ =	shalt  }
.Lfunc_end1:
_tile_overlayer_lowered:
.L_overlay_start_2:
0x43: {  	(tag) =	ssettag $0x2  }
0x44: {  	s0 =	rddreg [dreg:$0x0];
	s2 =	stileid.u32  }
0x45: {  	s1 =	rddreg [dreg:$0x1];
	p0 =	sne.s32 s2, $0x0  }
0x46: {  	s3 =	rddreg [dreg:$0x2];
	[bflag:$0x3] =	sbarrier.arrive $0xFFFF;
	s2 =	simm.s32 @!p0 $0x1C01  }
0x47: {  	[timem:s3], [sflag:s2] =	dma.local @!p0 [hbm:s0], s1  }
0x48: {  	s0 =	simm.s32 @!p0 $0x1  }
0x49: {  	_ =	swait.ge @!p0 [sflag:s0], s1  }
0x4a: {  	s1 =	ssub.s32 @!p0 $0x0, s1;
	[sflag:s0] =	ssyncset.done @!p0 $0x0  }
0x4b: {  	[sflag:s0] =	ssyncadd.s32 @!p0 s1  }
0x4c: {  	[bflag:$0x3] =	sbarrier.arrive $0xFFFF  }
0x4d: {  	_ =	shalt  }

</sc_bundles>
